<compile_context>
chip_gen: v7x
topology: tpu7x:2x2x1
jax: 0.10.2.dev20260603
libtpu: 0.0.44.dev20260713+nightly
codegen_flags: <defaults>
</compile_context>

<pallas_src>
import functools
import jax
import jax.numpy as jnp
from jax import lax
from jax.experimental import pallas as pl
from jax.experimental.pallas import tpu as pltpu
from jax.experimental.pallas import tpu_sc as plsc

N_CLS = 19
LB_POS = 1.0 - 0.1
LB_NEG = 0.1 / N_CLS
IGN = 255

_NC = 2
_L = 16
_N = 8
_H = 512
_W = 512
_QR = _H // 4
_CR = 8
_CW = 256
_T = (_QR // _CR) * (_W // _CW)


def _sc_body(lab_hbm, out_hbm, lab_v, obuf, isem0, isem1, osem0, osem1):
    cid = lax.axis_index("c")
    sid = lax.axis_index("s")
    wid = sid * _NC + cid
    n = wid // 4
    q = wid % 4
    lrow0 = n * _H + q * _QR
    orow0 = n * N_CLS
    isems = (isem0, isem1)
    osems = (osem0, osem1)

    def in_desc(k, b):
        hrow = (k // 2) * _CR
        c0 = (k % 2) * _CW
        return pltpu.make_async_copy(
            lab_hbm.at[pl.ds(lrow0 + hrow, _CR), pl.ds(c0, _CW)],
            lab_v.at[b], isems[b])

    def out_desc(k, b):
        hrow = q * _QR + (k // 2) * _CR
        c0 = (k % 2) * _CW
        return pltpu.make_async_copy(
            obuf.at[b],
            out_hbm.at[pl.ds(orow0, N_CLS), pl.ds(hrow, _CR), pl.ds(c0, _CW)],
            osems[b])

    def compute(b):
        jl = _CW // _L

        def it(i, carry):
            r = i // jl
            col = (i % jl) * _L
            lv = lab_v[b, r, pl.ds(col, _L)]
            neg = jnp.where(lv == IGN, 0.0, LB_NEG)
            for c in range(N_CLS):
                obuf[b, c, r, pl.ds(col, _L)] = jnp.where(lv == c, LB_POS, neg)
            return carry
        lax.fori_loop(0, _CR * jl, it, 0)

    in_desc(0, 0).start()
    in_desc(1, 1).start()

    def step(kk, carry):
        for b in (0, 1):
            k = 2 * kk + b
            in_desc(k, b).wait()

            @pl.when(kk >= 1)
            def _(k=k, b=b):
                out_desc(k - 2, b).wait()

            compute(b)
            out_desc(k, b).start()

            @pl.when(k + 2 < _T)
            def _(k=k, b=b):
                in_desc(k + 2, b).start()
        return carry

    lax.fori_loop(0, _T // 2, step, 0)
    out_desc(_T - 2, (_T - 2) % 2).wait()
    out_desc(_T - 1, (_T - 1) % 2).wait()


@functools.partial(
    pl.kernel,
    mesh=plsc.VectorSubcoreMesh(core_axis_name="c", subcore_axis_name="s"),
    out_type=jax.ShapeDtypeStruct((_N * N_CLS, _H, _W), jnp.float32),
    scratch_types=[
        pltpu.VMEM((2, _CR, _CW), jnp.int32),
        pltpu.VMEM((2, N_CLS, _CR, _CW), jnp.float32),
        pltpu.SemaphoreType.DMA,
        pltpu.SemaphoreType.DMA,
        pltpu.SemaphoreType.DMA,
        pltpu.SemaphoreType.DMA,
    ],
)
def _sc_kernel(lab_hbm, out_hbm, lab_v, obuf, isem0, isem1, osem0, osem1):
    _sc_body(lab_hbm, out_hbm, lab_v, obuf, isem0, isem1, osem0, osem1)


def kernel(label):
    n, h, w = label.shape
    out = _sc_kernel(label.reshape(n * h, w))
    return out.reshape(n, N_CLS, h, w)

# --- scband reference (transcript-rebuilt; emitter-appended) ---
"""Pipeline reference for scband-onehot-encoder-70205535420987 (READ-ONLY COPY).

The authoritative reference and input builder live on the scoring server;
editing this copy changes nothing except your own understanding.
"""

import jax, jax.numpy as jnp
import numpy as np

N_CLASSES = 19
LB_SMOOTH = 0.1
IGNORE_IDX = 255


def setup_inputs(seed: int = 0) -> dict:
    key = jax.random.key(seed)
    label = jax.random.randint(key, (8, 512, 512), 0, N_CLASSES, dtype=jnp.int64 if jax.config.jax_enable_x64 else jnp.int32)
    return {"label": label}


def reference(label) -> jnp.ndarray:
    # Faithful translation of convert_to_one_hot_cu:
    #   positive entries -> 1 - smooth
    #   negative entries -> smooth / minleng
    #   positions where label == ignore_idx -> all-zero one-hot row
    # Output shape: (N, n_classes, *spatial) float32
    lb_pos = 1.0 - LB_SMOOTH
    lb_neg = LB_SMOOTH / N_CLASSES
    ignore_mask = (label == IGNORE_IDX)
    safe_label = jnp.where(ignore_mask, 0, label)
    # one-hot along a new axis 1 (class dim), matching torch scatter_(1, x.unsqueeze(1), ...)
    onehot = jax.nn.one_hot(safe_label, N_CLASSES, axis=1, dtype=jnp.float32)
    out = lb_neg + onehot * (lb_pos - lb_neg)
    # zero out ignored positions across all classes
    out = jnp.where(ignore_mask[:, None, :, :], 0.0, out)
    return out


if False:  # reference __main__ guard neutralized (emitter)
    inp = setup_inputs()
    o = reference(**inp)
    print(o.shape, o.dtype)

if __name__ == "__main__":
    import jax
    _d = setup_inputs()
    print(jax.jit(kernel)(*tuple(_d.values())))

</pallas_src>

<mosaic_0001>
#map = affine_map<(d0, d1) -> (0, 0)>
#map1 = affine_map<(d0, d1) -> (0, 0, 0)>
module attributes {stable_mosaic.version = 14 : i64} {
  func.func @_sc_kernel(%arg0: i32, %arg1: i32, %arg2: memref<4096x512xi32, #tpu.memory_space<hbm>>, %arg3: memref<152x512x512xf32, #tpu.memory_space<hbm>>, %arg4: memref<2x8x256xi32, #tpu.memory_space<vmem>>, %arg5: memref<2x19x8x256xf32, #tpu.memory_space<vmem>>, %arg6: memref<!tpu.dma_semaphore, #tpu.memory_space<semaphore_mem>>, %arg7: memref<!tpu.dma_semaphore, #tpu.memory_space<semaphore_mem>>, %arg8: memref<!tpu.dma_semaphore, #tpu.memory_space<semaphore_mem>>, %arg9: memref<!tpu.dma_semaphore, #tpu.memory_space<semaphore_mem>>) attributes {dimension_semantics = [#tpu.dimension_semantics<core_parallel>, #tpu.dimension_semantics<subcore_parallel>], iteration_bounds = array<i64: 2, 16>, scalar_prefetch = 0 : i64, scratch_operands = 6 : i64, tpu.core_type = #tpu.core_type<sc_vector_subcore>, window_params = [{transform_indices = #map}, {transform_indices = #map1}]} {
    %mul3A = arith.constant 2 : i32
    %mul3A_0 = arith.muli %arg1, %mul3A : i32
    %add3A = arith.addi %mul3A_0, %arg0 : i32
    %jit3A = arith.constant 4 : i32
    %div3A = arith.divsi %add3A, %jit3A : i32
    %sign3A = arith.constant 0 : i32
    %sign3A_1 = arith.cmpi sgt, %add3A, %sign3A : i32
    %sign3A_2 = arith.extui %sign3A_1 : i1 to i32
    %sign3A_3 = arith.constant 0 : i32
    %sign3A_4 = arith.cmpi slt, %add3A, %sign3A_3 : i32
    %sign3A_5 = arith.extui %sign3A_4 : i1 to i32
    %sign3A_6 = arith.subi %sign3A_2, %sign3A_5 : i32
    %sign3A_7 = arith.constant 0 : i32
    %sign3A_8 = arith.cmpi sgt, %jit3A, %sign3A_7 : i32
    %sign3A_9 = arith.extui %sign3A_8 : i1 to i32
    %sign3A_10 = arith.constant 0 : i32
    %sign3A_11 = arith.cmpi slt, %jit3A, %sign3A_10 : i32
    %sign3A_12 = arith.extui %sign3A_11 : i1 to i32
    %sign3A_13 = arith.subi %sign3A_9, %sign3A_12 : i32
    %ne3A = arith.cmpi ne, %sign3A_6, %sign3A_13 : i32
    %rem3A = arith.remsi %add3A, %jit3A : i32
    %ne3A_14 = arith.constant 0 : i32
    %ne3A_15 = arith.cmpi ne, %rem3A, %ne3A_14 : i32
    %and3A = arith.andi %ne3A, %ne3A_15 : i1
    %sub3A = arith.constant 1 : i32
    %sub3A_16 = arith.subi %div3A, %sub3A : i32
    %select_n3A = arith.select %and3A, %sub3A_16, %div3A : i32
    %jit3A_17 = arith.constant 4 : i32
    %eq3A = arith.constant 0 : i32
    %eq3A_18 = arith.cmpi eq, %jit3A_17, %eq3A : i32
    %jit3A_19 = arith.constant 1 : i32
    %select_n3A_20 = arith.select %eq3A_18, %jit3A_19, %jit3A_17 : i32
    %rem3A_21 = arith.remsi %add3A, %select_n3A_20 : i32
    %ne3A_22 = arith.constant 0 : i32
    %ne3A_23 = arith.cmpi ne, %rem3A_21, %ne3A_22 : i32
    %lt3A = arith.constant 0 : i32
    %lt3A_24 = arith.cmpi slt, %rem3A_21, %lt3A : i32
    %lt3A_25 = arith.constant 0 : i32
    %lt3A_26 = arith.cmpi slt, %select_n3A_20, %lt3A_25 : i32
    %ne3A_27 = arith.xori %lt3A_24, %lt3A_26 : i1
    %and3A_28 = arith.andi %ne3A_27, %ne3A_23 : i1
    %add3A_29 = arith.addi %rem3A_21, %select_n3A_20 : i32
    %select_n3A_30 = arith.select %and3A_28, %add3A_29, %rem3A_21 : i32
    %mul3A_31 = arith.constant 512 : i32
    %mul3A_32 = arith.muli %select_n3A, %mul3A_31 : i32
    %mul3A_33 = arith.constant 128 : i32
    %mul3A_34 = arith.muli %select_n3A_30, %mul3A_33 : i32
    %add3A_35 = arith.addi %mul3A_32, %mul3A_34 : i32
    %mul3A_36 = arith.constant 19 : i32
    %mul3A_37 = arith.muli %select_n3A, %mul3A_36 : i32
    %add3A_38 = arith.constant 0 : i32
    %add3A_39 = arith.addi %add3A_35, %add3A_38 : i32
    %dma_start3A = arith.constant 0 : i32
    %dma_start3A_40 = arith.constant 0 : i32
    %dma_start3A_41 = arith.constant 0 : i32
    %dma_start3A_42 = tpu.memref_slice %arg4[%dma_start3A, %dma_start3A_40, %dma_start3A_41] : memref<2x8x256xi32, #tpu.memory_space<vmem>> -> memref<1x8x256xi32, #tpu.memory_space<vmem>>
    %dma_start3A_43 = tpu.memref_squeeze %dma_start3A_42 : memref<1x8x256xi32, #tpu.memory_space<vmem>> -> memref<8x256xi32, #tpu.memory_space<vmem>>
    %dma_start3A_44 = arith.constant 0 : i32
    %dma_start3A_45 = tpu.memref_slice %arg2[%add3A_39, %dma_start3A_44] : memref<4096x512xi32, #tpu.memory_space<hbm>> -> memref<8x256xi32, #tpu.memory_space<hbm>>
    %dma_start3A_46 = arith.constant 0 : i32
    %dma_start3A_47 = arith.constant 0 : i32
    %dma_start3A_48 = tpu.memref_slice %arg4[%dma_start3A, %dma_start3A_46, %dma_start3A_47] : memref<2x8x256xi32, #tpu.memory_space<vmem>> -> memref<1x8x256xi32, #tpu.memory_space<vmem>>
    %dma_start3A_49 = tpu.memref_squeeze %dma_start3A_48 : memref<1x8x256xi32, #tpu.memory_space<vmem>> -> memref<8x256xi32, #tpu.memory_space<vmem>>
    %dma_start3A_50 = arith.constant 0 : i32
    %dma_start3A_51 = tpu.memref_slice %arg2[%add3A_39, %dma_start3A_50] : memref<4096x512xi32, #tpu.memory_space<hbm>> -> memref<8x256xi32, #tpu.memory_space<hbm>>
    tpu.enqueue_dma source(%dma_start3A_51 : memref<8x256xi32, #tpu.memory_space<hbm>>) target(%dma_start3A_49 : memref<8x256xi32, #tpu.memory_space<vmem>>) target_semaphore(%arg6 : memref<!tpu.dma_semaphore, #tpu.memory_space<semaphore_mem>>)
    %add3A_52 = arith.constant 0 : i32
    %add3A_53 = arith.addi %add3A_35, %add3A_52 : i32
    %dma_start3A_54 = arith.constant 1 : i32
    %dma_start3A_55 = arith.constant 0 : i32
    %dma_start3A_56 = arith.constant 0 : i32
    %dma_start3A_57 = tpu.memref_slice %arg4[%dma_start3A_54, %dma_start3A_55, %dma_start3A_56] : memref<2x8x256xi32, #tpu.memory_space<vmem>> -> memref<1x8x256xi32, #tpu.memory_space<vmem>>
    %dma_start3A_58 = tpu.memref_squeeze %dma_start3A_57 : memref<1x8x256xi32, #tpu.memory_space<vmem>> -> memref<8x256xi32, #tpu.memory_space<vmem>>
    %dma_start3A_59 = arith.constant 256 : i32
    %dma_start3A_60 = tpu.memref_slice %arg2[%add3A_53, %dma_start3A_59] : memref<4096x512xi32, #tpu.memory_space<hbm>> -> memref<8x256xi32, #tpu.memory_space<hbm>>
    %dma_start3A_61 = arith.constant 0 : i32
    %dma_start3A_62 = arith.constant 0 : i32
    %dma_start3A_63 = tpu.memref_slice %arg4[%dma_start3A_54, %dma_start3A_61, %dma_start3A_62] : memref<2x8x256xi32, #tpu.memory_space<vmem>> -> memref<1x8x256xi32, #tpu.memory_space<vmem>>
    %dma_start3A_64 = tpu.memref_squeeze %dma_start3A_63 : memref<1x8x256xi32, #tpu.memory_space<vmem>> -> memref<8x256xi32, #tpu.memory_space<vmem>>
    %dma_start3A_65 = arith.constant 256 : i32
    %dma_start3A_66 = tpu.memref_slice %arg2[%add3A_53, %dma_start3A_65] : memref<4096x512xi32, #tpu.memory_space<hbm>> -> memref<8x256xi32, #tpu.memory_space<hbm>>
    tpu.enqueue_dma source(%dma_start3A_66 : memref<8x256xi32, #tpu.memory_space<hbm>>) target(%dma_start3A_64 : memref<8x256xi32, #tpu.memory_space<vmem>>) target_semaphore(%arg7 : memref<!tpu.dma_semaphore, #tpu.memory_space<semaphore_mem>>)
    %scan3A = arith.constant 0 : i32
    %scan3A_67 = arith.constant 0 : i32
    %scan3A_68 = arith.constant 16 : i32
    %scan3A_69 = arith.addi %scan3A_67, %scan3A_68 : i32
    %scan3A_70 = arith.constant 1 : i32
    scf.for %scan3A_109 = %scan3A_67 to %scan3A_69 step %scan3A_70  : i32 {
      %mul3A_110 = arith.constant 2 : i32
      %mul3A_111 = arith.muli %mul3A_110, %scan3A_109 : i32
      %add3A_112 = arith.constant 0 : i32
      %add3A_113 = arith.addi %mul3A_111, %add3A_112 : i32
      %jit3A_114 = arith.constant 2 : i32
      %div3A_115 = arith.divsi %add3A_113, %jit3A_114 : i32
      %sign3A_116 = arith.constant 0 : i32
      %sign3A_117 = arith.cmpi sgt, %add3A_113, %sign3A_116 : i32
      %sign3A_118 = arith.extui %sign3A_117 : i1 to i32
      %sign3A_119 = arith.constant 0 : i32
      %sign3A_120 = arith.cmpi slt, %add3A_113, %sign3A_119 : i32
      %sign3A_121 = arith.extui %sign3A_120 : i1 to i32
      %sign3A_122 = arith.subi %sign3A_118, %sign3A_121 : i32
      %sign3A_123 = arith.constant 0 : i32
      %sign3A_124 = arith.cmpi sgt, %jit3A_114, %sign3A_123 : i32
      %sign3A_125 = arith.extui %sign3A_124 : i1 to i32
      %sign3A_126 = arith.constant 0 : i32
      %sign3A_127 = arith.cmpi slt, %jit3A_114, %sign3A_126 : i32
      %sign3A_128 = arith.extui %sign3A_127 : i1 to i32
      %sign3A_129 = arith.subi %sign3A_125, %sign3A_128 : i32
      %ne3A_130 = arith.cmpi ne, %sign3A_122, %sign3A_129 : i32
      %rem3A_131 = arith.remsi %add3A_113, %jit3A_114 : i32
      %ne3A_132 = arith.constant 0 : i32
      %ne3A_133 = arith.cmpi ne, %rem3A_131, %ne3A_132 : i32
      %and3A_134 = arith.andi %ne3A_130, %ne3A_133 : i1
      %sub3A_135 = arith.constant 1 : i32
      %sub3A_136 = arith.subi %div3A_115, %sub3A_135 : i32
      %select_n3A_137 = arith.select %and3A_134, %sub3A_136, %div3A_115 : i32
      %mul3A_138 = arith.constant 8 : i32
      %mul3A_139 = arith.muli %select_n3A_137, %mul3A_138 : i32
      %jit3A_140 = arith.constant 2 : i32
      %eq3A_141 = arith.constant 0 : i32
      %eq3A_142 = arith.cmpi eq, %jit3A_140, %eq3A_141 : i32
      %jit3A_143 = arith.constant 1 : i32
      %select_n3A_144 = arith.select %eq3A_142, %jit3A_143, %jit3A_140 : i32
      %rem3A_145 = arith.remsi %add3A_113, %select_n3A_144 : i32
      %ne3A_146 = arith.constant 0 : i32
      %ne3A_147 = arith.cmpi ne, %rem3A_145, %ne3A_146 : i32
      %lt3A_148 = arith.constant 0 : i32
      %lt3A_149 = arith.cmpi slt, %rem3A_145, %lt3A_148 : i32
      %lt3A_150 = arith.constant 0 : i32
      %lt3A_151 = arith.cmpi slt, %select_n3A_144, %lt3A_150 : i32
      %ne3A_152 = arith.xori %lt3A_149, %lt3A_151 : i1
      %and3A_153 = arith.andi %ne3A_152, %ne3A_147 : i1
      %add3A_154 = arith.addi %rem3A_145, %select_n3A_144 : i32
      %select_n3A_155 = arith.select %and3A_153, %add3A_154, %rem3A_145 : i32
      %mul3A_156 = arith.constant 256 : i32
      %mul3A_157 = arith.muli %select_n3A_155, %mul3A_156 : i32
      %add3A_158 = arith.addi %add3A_35, %mul3A_139 : i32
      %dma_wait3A_159 = arith.constant 0 : i32
      %dma_wait3A_160 = arith.constant 0 : i32
      %dma_wait3A_161 = arith.constant 0 : i32
      %dma_wait3A_162 = tpu.memref_slice %arg4[%dma_wait3A_159, %dma_wait3A_160, %dma_wait3A_161] : memref<2x8x256xi32, #tpu.memory_space<vmem>> -> memref<1x8x256xi32, #tpu.memory_space<vmem>>
      %dma_wait3A_163 = tpu.memref_squeeze %dma_wait3A_162 : memref<1x8x256xi32, #tpu.memory_space<vmem>> -> memref<8x256xi32, #tpu.memory_space<vmem>>
      %dma_wait3A_164 = tpu.memref_slice %arg2[%add3A_158, %mul3A_157] : memref<4096x512xi32, #tpu.memory_space<hbm>> -> memref<8x256xi32, #tpu.memory_space<hbm>>
      %dma_wait3A_165 = arith.constant 0 : i32
      %dma_wait3A_166 = arith.constant 0 : i32
      %dma_wait3A_167 = tpu.memref_slice %arg4[%dma_wait3A_159, %dma_wait3A_165, %dma_wait3A_166] : memref<2x8x256xi32, #tpu.memory_space<vmem>> -> memref<1x8x256xi32, #tpu.memory_space<vmem>>
      %dma_wait3A_168 = tpu.memref_squeeze %dma_wait3A_167 : memref<1x8x256xi32, #tpu.memory_space<vmem>> -> memref<8x256xi32, #tpu.memory_space<vmem>>
      %dma_wait3A_169 = tpu.memref_slice %arg2[%add3A_158, %mul3A_157] : memref<4096x512xi32, #tpu.memory_space<hbm>> -> memref<8x256xi32, #tpu.memory_space<hbm>>
      tpu.wait_dma2 semaphore(%arg6 : memref<!tpu.dma_semaphore, #tpu.memory_space<semaphore_mem>>) src(%dma_wait3A_169 : memref<8x256xi32, #tpu.memory_space<hbm>>) dst(%dma_wait3A_168 : memref<8x256xi32, #tpu.memory_space<vmem>>)
      %ge3A = arith.constant 1 : i32
      %ge3A_170 = arith.cmpi sge, %scan3A_109, %ge3A : i32
      %convert_element_type3A = arith.extui %ge3A_170 : i1 to i32
      %cond3A = arith.constant 0 : i32
      %cond3A_171 = arith.cmpi ne, %convert_element_type3A, %cond3A : i32
      scf.if %cond3A_171 {
        %sub3A_383 = arith.constant 2 : i32
        %sub3A_384 = arith.subi %add3A_113, %sub3A_383 : i32
        %mul3A_385 = arith.constant 128 : i32
        %mul3A_386 = arith.muli %select_n3A_30, %mul3A_385 : i32
        %jit3A_387 = arith.constant 2 : i32
        %div3A_388 = arith.divsi %sub3A_384, %jit3A_387 : i32
        %sign3A_389 = arith.constant 0 : i32
        %sign3A_390 = arith.cmpi sgt, %sub3A_384, %sign3A_389 : i32
        %sign3A_391 = arith.extui %sign3A_390 : i1 to i32
        %sign3A_392 = arith.constant 0 : i32
        %sign3A_393 = arith.cmpi slt, %sub3A_384, %sign3A_392 : i32
        %sign3A_394 = arith.extui %sign3A_393 : i1 to i32
        %sign3A_395 = arith.subi %sign3A_391, %sign3A_394 : i32
        %sign3A_396 = arith.constant 0 : i32
        %sign3A_397 = arith.cmpi sgt, %jit3A_387, %sign3A_396 : i32
        %sign3A_398 = arith.extui %sign3A_397 : i1 to i32
        %sign3A_399 = arith.constant 0 : i32
        %sign3A_400 = arith.cmpi slt, %jit3A_387, %sign3A_399 : i32
        %sign3A_401 = arith.extui %sign3A_400 : i1 to i32
        %sign3A_402 = arith.subi %sign3A_398, %sign3A_401 : i32
        %ne3A_403 = arith.cmpi ne, %sign3A_395, %sign3A_402 : i32
        %rem3A_404 = arith.remsi %sub3A_384, %jit3A_387 : i32
        %ne3A_405 = arith.constant 0 : i32
        %ne3A_406 = arith.cmpi ne, %rem3A_404, %ne3A_405 : i32
        %and3A_407 = arith.andi %ne3A_403, %ne3A_406 : i1
        %sub3A_408 = arith.constant 1 : i32
        %sub3A_409 = arith.subi %div3A_388, %sub3A_408 : i32
        %select_n3A_410 = arith.select %and3A_407, %sub3A_409, %div3A_388 : i32
        %mul3A_411 = arith.constant 8 : i32
        %mul3A_412 = arith.muli %select_n3A_410, %mul3A_411 : i32
        %add3A_413 = arith.addi %mul3A_386, %mul3A_412 : i32
        %jit3A_414 = arith.constant 2 : i32
        %eq3A_415 = arith.constant 0 : i32
        %eq3A_416 = arith.cmpi eq, %jit3A_414, %eq3A_415 : i32
        %jit3A_417 = arith.constant 1 : i32
        %select_n3A_418 = arith.select %eq3A_416, %jit3A_417, %jit3A_414 : i32
        %rem3A_419 = arith.remsi %sub3A_384, %select_n3A_418 : i32
        %ne3A_420 = arith.constant 0 : i32
        %ne3A_421 = arith.cmpi ne, %rem3A_419, %ne3A_420 : i32
        %lt3A_422 = arith.constant 0 : i32
        %lt3A_423 = arith.cmpi slt, %rem3A_419, %lt3A_422 : i32
        %lt3A_424 = arith.constant 0 : i32
        %lt3A_425 = arith.cmpi slt, %select_n3A_418, %lt3A_424 : i32
        %ne3A_426 = arith.xori %lt3A_423, %lt3A_425 : i1
        %and3A_427 = arith.andi %ne3A_426, %ne3A_421 : i1
        %add3A_428 = arith.addi %rem3A_419, %select_n3A_418 : i32
        %select_n3A_429 = arith.select %and3A_427, %add3A_428, %rem3A_419 : i32
        %mul3A_430 = arith.constant 256 : i32
        %mul3A_431 = arith.muli %select_n3A_429, %mul3A_430 : i32
        %dma_wait3A_432 = arith.constant 0 : i32
        %dma_wait3A_433 = arith.constant 0 : i32
        %dma_wait3A_434 = arith.constant 0 : i32
        %dma_wait3A_435 = arith.constant 0 : i32
        %dma_wait3A_436 = tpu.memref_slice %arg5[%dma_wait3A_432, %dma_wait3A_433, %dma_wait3A_434, %dma_wait3A_435] : memref<2x19x8x256xf32, #tpu.memory_space<vmem>> -> memref<1x19x8x256xf32, #tpu.memory_space<vmem>>
        %dma_wait3A_437 = tpu.memref_squeeze %dma_wait3A_436 : memref<1x19x8x256xf32, #tpu.memory_space<vmem>> -> memref<19x8x256xf32, #tpu.memory_space<vmem>>
        %dma_wait3A_438 = tpu.memref_slice %arg3[%mul3A_37, %add3A_413, %mul3A_431] : memref<152x512x512xf32, #tpu.memory_space<hbm>> -> memref<19x8x256xf32, #tpu.memory_space<hbm>>
        %dma_wait3A_439 = tpu.memref_slice %arg3[%mul3A_37, %add3A_413, %mul3A_431] : memref<152x512x512xf32, #tpu.memory_space<hbm>> -> memref<19x8x256xf32, #tpu.memory_space<hbm>>
        %dma_wait3A_440 = arith.constant 0 : i32
        %dma_wait3A_441 = arith.constant 0 : i32
        %dma_wait3A_442 = arith.constant 0 : i32
        %dma_wait3A_443 = tpu.memref_slice %arg5[%dma_wait3A_432, %dma_wait3A_440, %dma_wait3A_441, %dma_wait3A_442] : memref<2x19x8x256xf32, #tpu.memory_space<vmem>> -> memref<1x19x8x256xf32, #tpu.memory_space<vmem>>
        %dma_wait3A_444 = tpu.memref_squeeze %dma_wait3A_443 : memref<1x19x8x256xf32, #tpu.memory_space<vmem>> -> memref<19x8x256xf32, #tpu.memory_space<vmem>>
        tpu.wait_dma2 semaphore(%arg8 : memref<!tpu.dma_semaphore, #tpu.memory_space<semaphore_mem>>) src(%dma_wait3A_444 : memref<19x8x256xf32, #tpu.memory_space<vmem>>) dst(%dma_wait3A_439 : memref<19x8x256xf32, #tpu.memory_space<hbm>>)
      } else {
      }
      %scan3A_172 = arith.constant 0 : i32
      %scan3A_173 = arith.constant 0 : i32
      %scan3A_174 = arith.constant 128 : i32
      %scan3A_175 = arith.addi %scan3A_173, %scan3A_174 : i32
      %scan3A_176 = arith.constant 1 : i32
      scf.for %scan3A_383 = %scan3A_173 to %scan3A_175 step %scan3A_176  : i32 {
        %jit3A_384 = arith.constant 16 : i32
        %div3A_385 = arith.divsi %scan3A_383, %jit3A_384 : i32
        %sign3A_386 = arith.constant 0 : i32
        %sign3A_387 = arith.cmpi sgt, %scan3A_383, %sign3A_386 : i32
        %sign3A_388 = arith.extui %sign3A_387 : i1 to i32
        %sign3A_389 = arith.constant 0 : i32
        %sign3A_390 = arith.cmpi slt, %scan3A_383, %sign3A_389 : i32
        %sign3A_391 = arith.extui %sign3A_390 : i1 to i32
        %sign3A_392 = arith.subi %sign3A_388, %sign3A_391 : i32
        %sign3A_393 = arith.constant 0 : i32
        %sign3A_394 = arith.cmpi sgt, %jit3A_384, %sign3A_393 : i32
        %sign3A_395 = arith.extui %sign3A_394 : i1 to i32
        %sign3A_396 = arith.constant 0 : i32
        %sign3A_397 = arith.cmpi slt, %jit3A_384, %sign3A_396 : i32
        %sign3A_398 = arith.extui %sign3A_397 : i1 to i32
        %sign3A_399 = arith.subi %sign3A_395, %sign3A_398 : i32
        %ne3A_400 = arith.cmpi ne, %sign3A_392, %sign3A_399 : i32
        %rem3A_401 = arith.remsi %scan3A_383, %jit3A_384 : i32
        %ne3A_402 = arith.constant 0 : i32
        %ne3A_403 = arith.cmpi ne, %rem3A_401, %ne3A_402 : i32
        %and3A_404 = arith.andi %ne3A_400, %ne3A_403 : i1
        %sub3A_405 = arith.constant 1 : i32
        %sub3A_406 = arith.subi %div3A_385, %sub3A_405 : i32
        %select_n3A_407 = arith.select %and3A_404, %sub3A_406, %div3A_385 : i32
        %jit3A_408 = arith.constant 16 : i32
        %eq3A_409 = arith.constant 0 : i32
        %eq3A_410 = arith.cmpi eq, %jit3A_408, %eq3A_409 : i32
        %jit3A_411 = arith.constant 1 : i32
        %select_n3A_412 = arith.select %eq3A_410, %jit3A_411, %jit3A_408 : i32
        %rem3A_413 = arith.remsi %scan3A_383, %select_n3A_412 : i32
        %ne3A_414 = arith.constant 0 : i32
        %ne3A_415 = arith.cmpi ne, %rem3A_413, %ne3A_414 : i32
        %lt3A_416 = arith.constant 0 : i32
        %lt3A_417 = arith.cmpi slt, %rem3A_413, %lt3A_416 : i32
        %lt3A_418 = arith.constant 0 : i32
        %lt3A_419 = arith.cmpi slt, %select_n3A_412, %lt3A_418 : i32
        %ne3A_420 = arith.xori %lt3A_417, %lt3A_419 : i1
        %and3A_421 = arith.andi %ne3A_420, %ne3A_415 : i1
        %add3A_422 = arith.addi %rem3A_413, %select_n3A_412 : i32
        %select_n3A_423 = arith.select %and3A_421, %add3A_422, %rem3A_413 : i32
        %mul3A_424 = arith.constant 16 : i32
        %mul3A_425 = arith.muli %select_n3A_423, %mul3A_424 : i32
        %get3A = arith.constant 0 : i32
        %get3A_426 = arith.index_cast %get3A : i32 to index
        %get3A_427 = arith.index_cast %select_n3A_407 : i32 to index
        %get3A_428 = arith.index_cast %mul3A_425 : i32 to index
        %get3A_429 = tpu.vector_load %arg4[%get3A_426, %get3A_427, %get3A_428] {strides = array<i32>} : memref<2x8x256xi32, #tpu.memory_space<vmem>>, vector<1x1x16xi32>,
        %get3A_430 = vector.shape_cast %get3A_429 : vector<1x1x16xi32> to vector<16xi32>
        %eq3A_431 = arith.constant 255 : i32
        %eq3A_432 = vector.broadcast %eq3A_431 : i32 to vector<16xi32>
        %eq3A_433 = arith.cmpi eq, %get3A_430, %eq3A_432 : vector<16xi32>
        %jit3A_434 = arith.constant 0.000000e+00 : f32
        %jit3A_435 = arith.constant 0.00526315812 : f32
        %broadcast_in_dim3A = vector.broadcast %jit3A_434 : f32 to vector<16xf32>
        %broadcast_in_dim3A_436 = vector.broadcast %jit3A_435 : f32 to vector<16xf32>
        %select_n3A_437 = arith.select %eq3A_433, %broadcast_in_dim3A, %broadcast_in_dim3A_436 : vector<16xi1>, vector<16xf32>
        %eq3A_438 = arith.constant 0 : i32
        %eq3A_439 = vector.broadcast %eq3A_438 : i32 to vector<16xi32>
        %eq3A_440 = arith.cmpi eq, %get3A_430, %eq3A_439 : vector<16xi32>
        %jit3A_441 = arith.constant 0.899999976 : f32
        %broadcast_in_dim3A_442 = vector.broadcast %jit3A_441 : f32 to vector<16xf32>
        %select_n3A_443 = arith.select %eq3A_440, %broadcast_in_dim3A_442, %select_n3A_437 : vector<16xi1>, vector<16xf32>
        %swap3A = arith.constant 0 : i32
        %swap3A_444 = arith.constant 0 : i32
        %swap3A_445 = arith.index_cast %swap3A : i32 to index
        %swap3A_446 = arith.index_cast %swap3A_444 : i32 to index
        %swap3A_447 = arith.index_cast %select_n3A_407 : i32 to index
        %swap3A_448 = arith.index_cast %mul3A_425 : i32 to index
        %swap3A_449 = tpu.vector_load %arg5[%swap3A_445, %swap3A_446, %swap3A_447, %swap3A_448] {strides = array<i32>} : memref<2x19x8x256xf32, #tpu.memory_space<vmem>>, vector<1x1x1x16xf32>,
        %swap3A_450 = vector.shape_cast %swap3A_449 : vector<1x1x1x16xf32> to vector<16xf32>
        %swap3A_451 = vector.shape_cast %select_n3A_443 : vector<16xf32> to vector<1x1x1x16xf32>
        tpu.vector_store %arg5[%swap3A_445, %swap3A_446, %swap3A_447, %swap3A_448], %swap3A_451 {strides = array<i32>} : memref<2x19x8x256xf32, #tpu.memory_space<vmem>>, vector<1x1x1x16xf32>,
        %eq3A_452 = arith.constant 1 : i32
        %eq3A_453 = vector.broadcast %eq3A_452 : i32 to vector<16xi32>
        %eq3A_454 = arith.cmpi eq, %get3A_430, %eq3A_453 : vector<16xi32>
        %jit3A_455 = arith.constant 0.899999976 : f32
        %broadcast_in_dim3A_456 = vector.broadcast %jit3A_455 : f32 to vector<16xf32>
        %select_n3A_457 = arith.select %eq3A_454, %broadcast_in_dim3A_456, %select_n3A_437 : vector<16xi1>, vector<16xf32>
        %swap3A_458 = arith.constant 0 : i32
        %swap3A_459 = arith.constant 1 : i32
        %swap3A_460 = arith.index_cast %swap3A_458 : i32 to index
        %swap3A_461 = arith.index_cast %swap3A_459 : i32 to index
        %swap3A_462 = arith.index_cast %select_n3A_407 : i32 to index
        %swap3A_463 = arith.index_cast %mul3A_425 : i32 to index
        %swap3A_464 = tpu.vector_load %arg5[%swap3A_460, %swap3A_461, %swap3A_462, %swap3A_463] {strides = array<i32>} : memref<2x19x8x256xf32, #tpu.memory_space<vmem>>, vector<1x1x1x16xf32>,
        %swap3A_465 = vector.shape_cast %swap3A_464 : vector<1x1x1x16xf32> to vector<16xf32>
        %swap3A_466 = vector.shape_cast %select_n3A_457 : vector<16xf32> to vector<1x1x1x16xf32>
        tpu.vector_store %arg5[%swap3A_460, %swap3A_461, %swap3A_462, %swap3A_463], %swap3A_466 {strides = array<i32>} : memref<2x19x8x256xf32, #tpu.memory_space<vmem>>, vector<1x1x1x16xf32>,
        %eq3A_467 = arith.constant 2 : i32
        %eq3A_468 = vector.broadcast %eq3A_467 : i32 to vector<16xi32>
        %eq3A_469 = arith.cmpi eq, %get3A_430, %eq3A_468 : vector<16xi32>
        %jit3A_470 = arith.constant 0.899999976 : f32
        %broadcast_in_dim3A_471 = vector.broadcast %jit3A_470 : f32 to vector<16xf32>
        %select_n3A_472 = arith.select %eq3A_469, %broadcast_in_dim3A_471, %select_n3A_437 : vector<16xi1>, vector<16xf32>
        %swap3A_473 = arith.constant 0 : i32
        %swap3A_474 = arith.constant 2 : i32
        %swap3A_475 = arith.index_cast %swap3A_473 : i32 to index
        %swap3A_476 = arith.index_cast %swap3A_474 : i32 to index
        %swap3A_477 = arith.index_cast %select_n3A_407 : i32 to index
        %swap3A_478 = arith.index_cast %mul3A_425 : i32 to index
        %swap3A_479 = tpu.vector_load %arg5[%swap3A_475, %swap3A_476, %swap3A_477, %swap3A_478] {strides = array<i32>} : memref<2x19x8x256xf32, #tpu.memory_space<vmem>>, vector<1x1x1x16xf32>,
        %swap3A_480 = vector.shape_cast %swap3A_479 : vector<1x1x1x16xf32> to vector<16xf32>
        %swap3A_481 = vector.shape_cast %select_n3A_472 : vector<16xf32> to vector<1x1x1x16xf32>
        tpu.vector_store %arg5[%swap3A_475, %swap3A_476, %swap3A_477, %swap3A_478], %swap3A_481 {strides = array<i32>} : memref<2x19x8x256xf32, #tpu.memory_space<vmem>>, vector<1x1x1x16xf32>,
        %eq3A_482 = arith.constant 3 : i32
        %eq3A_483 = vector.broadcast %eq3A_482 : i32 to vector<16xi32>
        %eq3A_484 = arith.cmpi eq, %get3A_430, %eq3A_483 : vector<16xi32>
        %jit3A_485 = arith.constant 0.899999976 : f32
        %broadcast_in_dim3A_486 = vector.broadcast %jit3A_485 : f32 to vector<16xf32>
        %select_n3A_487 = arith.select %eq3A_484, %broadcast_in_dim3A_486, %select_n3A_437 : vector<16xi1>, vector<16xf32>
        %swap3A_488 = arith.constant 0 : i32
        %swap3A_489 = arith.constant 3 : i32
        %swap3A_490 = arith.index_cast %swap3A_488 : i32 to index
        %swap3A_491 = arith.index_cast %swap3A_489 : i32 to index
        %swap3A_492 = arith.index_cast %select_n3A_407 : i32 to index
        %swap3A_493 = arith.index_cast %mul3A_425 : i32 to index
        %swap3A_494 = tpu.vector_load %arg5[%swap3A_490, %swap3A_491, %swap3A_492, %swap3A_493] {strides = array<i32>} : memref<2x19x8x256xf32, #tpu.memory_space<vmem>>, vector<1x1x1x16xf32>,
        %swap3A_495 = vector.shape_cast %swap3A_494 : vector<1x1x1x16xf32> to vector<16xf32>
        %swap3A_496 = vector.shape_cast %select_n3A_487 : vector<16xf32> to vector<1x1x1x16xf32>
        tpu.vector_store %arg5[%swap3A_490, %swap3A_491, %swap3A_492, %swap3A_493], %swap3A_496 {strides = array<i32>} : memref<2x19x8x256xf32, #tpu.memory_space<vmem>>, vector<1x1x1x16xf32>,
        %eq3A_497 = arith.constant 4 : i32
        %eq3A_498 = vector.broadcast %eq3A_497 : i32 to vector<16xi32>
        %eq3A_499 = arith.cmpi eq, %get3A_430, %eq3A_498 : vector<16xi32>
        %jit3A_500 = arith.constant 0.899999976 : f32
        %broadcast_in_dim3A_501 = vector.broadcast %jit3A_500 : f32 to vector<16xf32>
        %select_n3A_502 = arith.select %eq3A_499, %broadcast_in_dim3A_501, %select_n3A_437 : vector<16xi1>, vector<16xf32>
        %swap3A_503 = arith.constant 0 : i32
        %swap3A_504 = arith.constant 4 : i32
        %swap3A_505 = arith.index_cast %swap3A_503 : i32 to index
        %swap3A_506 = arith.index_cast %swap3A_504 : i32 to index
        %swap3A_507 = arith.index_cast %select_n3A_407 : i32 to index
        %swap3A_508 = arith.index_cast %mul3A_425 : i32 to index
        %swap3A_509 = tpu.vector_load %arg5[%swap3A_505, %swap3A_506, %swap3A_507, %swap3A_508] {strides = array<i32>} : memref<2x19x8x256xf32, #tpu.memory_space<vmem>>, vector<1x1x1x16xf32>,
        %swap3A_510 = vector.shape_cast %swap3A_509 : vector<1x1x1x16xf32> to vector<16xf32>
        %swap3A_511 = vector.shape_cast %select_n3A_502 : vector<16xf32> to vector<1x1x1x16xf32>
        tpu.vector_store %arg5[%swap3A_505, %swap3A_506, %swap3A_507, %swap3A_508], %swap3A_511 {strides = array<i32>} : memref<2x19x8x256xf32, #tpu.memory_space<vmem>>, vector<1x1x1x16xf32>,
        %eq3A_512 = arith.constant 5 : i32
        %eq3A_513 = vector.broadcast %eq3A_512 : i32 to vector<16xi32>
        %eq3A_514 = arith.cmpi eq, %get3A_430, %eq3A_513 : vector<16xi32>
        %jit3A_515 = arith.constant 0.899999976 : f32
        %broadcast_in_dim3A_516 = vector.broadcast %jit3A_515 : f32 to vector<16xf32>
        %select_n3A_517 = arith.select %eq3A_514, %broadcast_in_dim3A_516, %select_n3A_437 : vector<16xi1>, vector<16xf32>
        %swap3A_518 = arith.constant 0 : i32
        %swap3A_519 = arith.constant 5 : i32
        %swap3A_520 = arith.index_cast %swap3A_518 : i32 to index
        %swap3A_521 = arith.index_cast %swap3A_519 : i32 to index
        %swap3A_522 = arith.index_cast %select_n3A_407 : i32 to index
        %swap3A_523 = arith.index_cast %mul3A_425 : i32 to index
        %swap3A_524 = tpu.vector_load %arg5[%swap3A_520, %swap3A_521, %swap3A_522, %swap3A_523] {strides = array<i32>} : memref<2x19x8x256xf32, #tpu.memory_space<vmem>>, vector<1x1x1x16xf32>,
        %swap3A_525 = vector.shape_cast %swap3A_524 : vector<1x1x1x16xf32> to vector<16xf32>
        %swap3A_526 = vector.shape_cast %select_n3A_517 : vector<16xf32> to vector<1x1x1x16xf32>
        tpu.vector_store %arg5[%swap3A_520, %swap3A_521, %swap3A_522, %swap3A_523], %swap3A_526 {strides = array<i32>} : memref<2x19x8x256xf32, #tpu.memory_space<vmem>>, vector<1x1x1x16xf32>,
        %eq3A_527 = arith.constant 6 : i32
        %eq3A_528 = vector.broadcast %eq3A_527 : i32 to vector<16xi32>
        %eq3A_529 = arith.cmpi eq, %get3A_430, %eq3A_528 : vector<16xi32>
        %jit3A_530 = arith.constant 0.899999976 : f32
        %broadcast_in_dim3A_531 = vector.broadcast %jit3A_530 : f32 to vector<16xf32>
        %select_n3A_532 = arith.select %eq3A_529, %broadcast_in_dim3A_531, %select_n3A_437 : vector<16xi1>, vector<16xf32>
        %swap3A_533 = arith.constant 0 : i32
        %swap3A_534 = arith.constant 6 : i32
        %swap3A_535 = arith.index_cast %swap3A_533 : i32 to index
        %swap3A_536 = arith.index_cast %swap3A_534 : i32 to index
        %swap3A_537 = arith.index_cast %select_n3A_407 : i32 to index
        %swap3A_538 = arith.index_cast %mul3A_425 : i32 to index
        %swap3A_539 = tpu.vector_load %arg5[%swap3A_535, %swap3A_536, %swap3A_537, %swap3A_538] {strides = array<i32>} : memref<2x19x8x256xf32, #tpu.memory_space<vmem>>, vector<1x1x1x16xf32>,
        %swap3A_540 = vector.shape_cast %swap3A_539 : vector<1x1x1x16xf32> to vector<16xf32>
        %swap3A_541 = vector.shape_cast %select_n3A_532 : vector<16xf32> to vector<1x1x1x16xf32>
        tpu.vector_store %arg5[%swap3A_535, %swap3A_536, %swap3A_537, %swap3A_538], %swap3A_541 {strides = array<i32>} : memref<2x19x8x256xf32, #tpu.memory_space<vmem>>, vector<1x1x1x16xf32>,
        %eq3A_542 = arith.constant 7 : i32
        %eq3A_543 = vector.broadcast %eq3A_542 : i32 to vector<16xi32>
        %eq3A_544 = arith.cmpi eq, %get3A_430, %eq3A_543 : vector<16xi32>
        %jit3A_545 = arith.constant 0.899999976 : f32
        %broadcast_in_dim3A_546 = vector.broadcast %jit3A_545 : f32 to vector<16xf32>
        %select_n3A_547 = arith.select %eq3A_544, %broadcast_in_dim3A_546, %select_n3A_437 : vector<16xi1>, vector<16xf32>
        %swap3A_548 = arith.constant 0 : i32
        %swap3A_549 = arith.constant 7 : i32
        %swap3A_550 = arith.index_cast %swap3A_548 : i32 to index
        %swap3A_551 = arith.index_cast %swap3A_549 : i32 to index
        %swap3A_552 = arith.index_cast %select_n3A_407 : i32 to index
        %swap3A_553 = arith.index_cast %mul3A_425 : i32 to index
        %swap3A_554 = tpu.vector_load %arg5[%swap3A_550, %swap3A_551, %swap3A_552, %swap3A_553] {strides = array<i32>} : memref<2x19x8x256xf32, #tpu.memory_space<vmem>>, vector<1x1x1x16xf32>,
        %swap3A_555 = vector.shape_cast %swap3A_554 : vector<1x1x1x16xf32> to vector<16xf32>
        %swap3A_556 = vector.shape_cast %select_n3A_547 : vector<16xf32> to vector<1x1x1x16xf32>
        tpu.vector_store %arg5[%swap3A_550, %swap3A_551, %swap3A_552, %swap3A_553], %swap3A_556 {strides = array<i32>} : memref<2x19x8x256xf32, #tpu.memory_space<vmem>>, vector<1x1x1x16xf32>,
        %eq3A_557 = arith.constant 8 : i32
        %eq3A_558 = vector.broadcast %eq3A_557 : i32 to vector<16xi32>
        %eq3A_559 = arith.cmpi eq, %get3A_430, %eq3A_558 : vector<16xi32>
        %jit3A_560 = arith.constant 0.899999976 : f32
        %broadcast_in_dim3A_561 = vector.broadcast %jit3A_560 : f32 to vector<16xf32>
        %select_n3A_562 = arith.select %eq3A_559, %broadcast_in_dim3A_561, %select_n3A_437 : vector<16xi1>, vector<16xf32>
        %swap3A_563 = arith.constant 0 : i32
        %swap3A_564 = arith.constant 8 : i32
        %swap3A_565 = arith.index_cast %swap3A_563 : i32 to index
        %swap3A_566 = arith.index_cast %swap3A_564 : i32 to index
        %swap3A_567 = arith.index_cast %select_n3A_407 : i32 to index
        %swap3A_568 = arith.index_cast %mul3A_425 : i32 to index
        %swap3A_569 = tpu.vector_load %arg5[%swap3A_565, %swap3A_566, %swap3A_567, %swap3A_568] {strides = array<i32>} : memref<2x19x8x256xf32, #tpu.memory_space<vmem>>, vector<1x1x1x16xf32>,
        %swap3A_570 = vector.shape_cast %swap3A_569 : vector<1x1x1x16xf32> to vector<16xf32>
        %swap3A_571 = vector.shape_cast %select_n3A_562 : vector<16xf32> to vector<1x1x1x16xf32>
        tpu.vector_store %arg5[%swap3A_565, %swap3A_566, %swap3A_567, %swap3A_568], %swap3A_571 {strides = array<i32>} : memref<2x19x8x256xf32, #tpu.memory_space<vmem>>, vector<1x1x1x16xf32>,
        %eq3A_572 = arith.constant 9 : i32
        %eq3A_573 = vector.broadcast %eq3A_572 : i32 to vector<16xi32>
        %eq3A_574 = arith.cmpi eq, %get3A_430, %eq3A_573 : vector<16xi32>
        %jit3A_575 = arith.constant 0.899999976 : f32
        %broadcast_in_dim3A_576 = vector.broadcast %jit3A_575 : f32 to vector<16xf32>
        %select_n3A_577 = arith.select %eq3A_574, %broadcast_in_dim3A_576, %select_n3A_437 : vector<16xi1>, vector<16xf32>
        %swap3A_578 = arith.constant 0 : i32
        %swap3A_579 = arith.constant 9 : i32
        %swap3A_580 = arith.index_cast %swap3A_578 : i32 to index
        %swap3A_581 = arith.index_cast %swap3A_579 : i32 to index
        %swap3A_582 = arith.index_cast %select_n3A_407 : i32 to index
        %swap3A_583 = arith.index_cast %mul3A_425 : i32 to index
        %swap3A_584 = tpu.vector_load %arg5[%swap3A_580, %swap3A_581, %swap3A_582, %swap3A_583] {strides = array<i32>} : memref<2x19x8x256xf32, #tpu.memory_space<vmem>>, vector<1x1x1x16xf32>,
        %swap3A_585 = vector.shape_cast %swap3A_584 : vector<1x1x1x16xf32> to vector<16xf32>
        %swap3A_586 = vector.shape_cast %select_n3A_577 : vector<16xf32> to vector<1x1x1x16xf32>
        tpu.vector_store %arg5[%swap3A_580, %swap3A_581, %swap3A_582, %swap3A_583], %swap3A_586 {strides = array<i32>} : memref<2x19x8x256xf32, #tpu.memory_space<vmem>>, vector<1x1x1x16xf32>,
        %eq3A_587 = arith.constant 10 : i32
        %eq3A_588 = vector.broadcast %eq3A_587 : i32 to vector<16xi32>
        %eq3A_589 = arith.cmpi eq, %get3A_430, %eq3A_588 : vector<16xi32>
        %jit3A_590 = arith.constant 0.899999976 : f32
        %broadcast_in_dim3A_591 = vector.broadcast %jit3A_590 : f32 to vector<16xf32>
        %select_n3A_592 = arith.select %eq3A_589, %broadcast_in_dim3A_591, %select_n3A_437 : vector<16xi1>, vector<16xf32>
        %swap3A_593 = arith.constant 0 : i32
        %swap3A_594 = arith.constant 10 : i32
        %swap3A_595 = arith.index_cast %swap3A_593 : i32 to index
        %swap3A_596 = arith.index_cast %swap3A_594 : i32 to index
        %swap3A_597 = arith.index_cast %select_n3A_407 : i32 to index
        %swap3A_598 = arith.index_cast %mul3A_425 : i32 to index
        %swap3A_599 = tpu.vector_load %arg5[%swap3A_595, %swap3A_596, %swap3A_597, %swap3A_598] {strides = array<i32>} : memref<2x19x8x256xf32, #tpu.memory_space<vmem>>, vector<1x1x1x16xf32>,
        %swap3A_600 = vector.shape_cast %swap3A_599 : vector<1x1x1x16xf32> to vector<16xf32>
        %swap3A_601 = vector.shape_cast %select_n3A_592 : vector<16xf32> to vector<1x1x1x16xf32>
        tpu.vector_store %arg5[%swap3A_595, %swap3A_596, %swap3A_597, %swap3A_598], %swap3A_601 {strides = array<i32>} : memref<2x19x8x256xf32, #tpu.memory_space<vmem>>, vector<1x1x1x16xf32>,
        %eq3A_602 = arith.constant 11 : i32
        %eq3A_603 = vector.broadcast %eq3A_602 : i32 to vector<16xi32>
        %eq3A_604 = arith.cmpi eq, %get3A_430, %eq3A_603 : vector<16xi32>
        %jit3A_605 = arith.constant 0.899999976 : f32
        %broadcast_in_dim3A_606 = vector.broadcast %jit3A_605 : f32 to vector<16xf32>
        %select_n3A_607 = arith.select %eq3A_604, %broadcast_in_dim3A_606, %select_n3A_437 : vector<16xi1>, vector<16xf32>
        %swap3A_608 = arith.constant 0 : i32
        %swap3A_609 = arith.constant 11 : i32
        %swap3A_610 = arith.index_cast %swap3A_608 : i32 to index
        %swap3A_611 = arith.index_cast %swap3A_609 : i32 to index
        %swap3A_612 = arith.index_cast %select_n3A_407 : i32 to index
        %swap3A_613 = arith.index_cast %mul3A_425 : i32 to index
        %swap3A_614 = tpu.vector_load %arg5[%swap3A_610, %swap3A_611, %swap3A_612, %swap3A_613] {strides = array<i32>} : memref<2x19x8x256xf32, #tpu.memory_space<vmem>>, vector<1x1x1x16xf32>,
        %swap3A_615 = vector.shape_cast %swap3A_614 : vector<1x1x1x16xf32> to vector<16xf32>
        %swap3A_616 = vector.shape_cast %select_n3A_607 : vector<16xf32> to vector<1x1x1x16xf32>
        tpu.vector_store %arg5[%swap3A_610, %swap3A_611, %swap3A_612, %swap3A_613], %swap3A_616 {strides = array<i32>} : memref<2x19x8x256xf32, #tpu.memory_space<vmem>>, vector<1x1x1x16xf32>,
        %eq3A_617 = arith.constant 12 : i32
        %eq3A_618 = vector.broadcast %eq3A_617 : i32 to vector<16xi32>
        %eq3A_619 = arith.cmpi eq, %get3A_430, %eq3A_618 : vector<16xi32>
        %jit3A_620 = arith.constant 0.899999976 : f32
        %broadcast_in_dim3A_621 = vector.broadcast %jit3A_620 : f32 to vector<16xf32>
        %select_n3A_622 = arith.select %eq3A_619, %broadcast_in_dim3A_621, %select_n3A_437 : vector<16xi1>, vector<16xf32>
        %swap3A_623 = arith.constant 0 : i32
        %swap3A_624 = arith.constant 12 : i32
        %swap3A_625 = arith.index_cast %swap3A_623 : i32 to index
        %swap3A_626 = arith.index_cast %swap3A_624 : i32 to index
        %swap3A_627 = arith.index_cast %select_n3A_407 : i32 to index
        %swap3A_628 = arith.index_cast %mul3A_425 : i32 to index
        %swap3A_629 = tpu.vector_load %arg5[%swap3A_625, %swap3A_626, %swap3A_627, %swap3A_628] {strides = array<i32>} : memref<2x19x8x256xf32, #tpu.memory_space<vmem>>, vector<1x1x1x16xf32>,
        %swap3A_630 = vector.shape_cast %swap3A_629 : vector<1x1x1x16xf32> to vector<16xf32>
        %swap3A_631 = vector.shape_cast %select_n3A_622 : vector<16xf32> to vector<1x1x1x16xf32>
        tpu.vector_store %arg5[%swap3A_625, %swap3A_626, %swap3A_627, %swap3A_628], %swap3A_631 {strides = array<i32>} : memref<2x19x8x256xf32, #tpu.memory_space<vmem>>, vector<1x1x1x16xf32>,
        %eq3A_632 = arith.constant 13 : i32
        %eq3A_633 = vector.broadcast %eq3A_632 : i32 to vector<16xi32>
        %eq3A_634 = arith.cmpi eq, %get3A_430, %eq3A_633 : vector<16xi32>
        %jit3A_635 = arith.constant 0.899999976 : f32
        %broadcast_in_dim3A_636 = vector.broadcast %jit3A_635 : f32 to vector<16xf32>
        %select_n3A_637 = arith.select %eq3A_634, %broadcast_in_dim3A_636, %select_n3A_437 : vector<16xi1>, vector<16xf32>
        %swap3A_638 = arith.constant 0 : i32
        %swap3A_639 = arith.constant 13 : i32
        %swap3A_640 = arith.index_cast %swap3A_638 : i32 to index
        %swap3A_641 = arith.index_cast %swap3A_639 : i32 to index
        %swap3A_642 = arith.index_cast %select_n3A_407 : i32 to index
        %swap3A_643 = arith.index_cast %mul3A_425 : i32 to index
        %swap3A_644 = tpu.vector_load %arg5[%swap3A_640, %swap3A_641, %swap3A_642, %swap3A_643] {strides = array<i32>} : memref<2x19x8x256xf32, #tpu.memory_space<vmem>>, vector<1x1x1x16xf32>,
        %swap3A_645 = vector.shape_cast %swap3A_644 : vector<1x1x1x16xf32> to vector<16xf32>
        %swap3A_646 = vector.shape_cast %select_n3A_637 : vector<16xf32> to vector<1x1x1x16xf32>
        tpu.vector_store %arg5[%swap3A_640, %swap3A_641, %swap3A_642, %swap3A_643], %swap3A_646 {strides = array<i32>} : memref<2x19x8x256xf32, #tpu.memory_space<vmem>>, vector<1x1x1x16xf32>,
        %eq3A_647 = arith.constant 14 : i32
        %eq3A_648 = vector.broadcast %eq3A_647 : i32 to vector<16xi32>
        %eq3A_649 = arith.cmpi eq, %get3A_430, %eq3A_648 : vector<16xi32>
        %jit3A_650 = arith.constant 0.899999976 : f32
        %broadcast_in_dim3A_651 = vector.broadcast %jit3A_650 : f32 to vector<16xf32>
        %select_n3A_652 = arith.select %eq3A_649, %broadcast_in_dim3A_651, %select_n3A_437 : vector<16xi1>, vector<16xf32>
        %swap3A_653 = arith.constant 0 : i32
        %swap3A_654 = arith.constant 14 : i32
        %swap3A_655 = arith.index_cast %swap3A_653 : i32 to index
        %swap3A_656 = arith.index_cast %swap3A_654 : i32 to index
        %swap3A_657 = arith.index_cast %select_n3A_407 : i32 to index
        %swap3A_658 = arith.index_cast %mul3A_425 : i32 to index
        %swap3A_659 = tpu.vector_load %arg5[%swap3A_655, %swap3A_656, %swap3A_657, %swap3A_658] {strides = array<i32>} : memref<2x19x8x256xf32, #tpu.memory_space<vmem>>, vector<1x1x1x16xf32>,
        %swap3A_660 = vector.shape_cast %swap3A_659 : vector<1x1x1x16xf32> to vector<16xf32>
        %swap3A_661 = vector.shape_cast %select_n3A_652 : vector<16xf32> to vector<1x1x1x16xf32>
        tpu.vector_store %arg5[%swap3A_655, %swap3A_656, %swap3A_657, %swap3A_658], %swap3A_661 {strides = array<i32>} : memref<2x19x8x256xf32, #tpu.memory_space<vmem>>, vector<1x1x1x16xf32>,
        %eq3A_662 = arith.constant 15 : i32
        %eq3A_663 = vector.broadcast %eq3A_662 : i32 to vector<16xi32>
        %eq3A_664 = arith.cmpi eq, %get3A_430, %eq3A_663 : vector<16xi32>
        %jit3A_665 = arith.constant 0.899999976 : f32
        %broadcast_in_dim3A_666 = vector.broadcast %jit3A_665 : f32 to vector<16xf32>
        %select_n3A_667 = arith.select %eq3A_664, %broadcast_in_dim3A_666, %select_n3A_437 : vector<16xi1>, vector<16xf32>
        %swap3A_668 = arith.constant 0 : i32
        %swap3A_669 = arith.constant 15 : i32
        %swap3A_670 = arith.index_cast %swap3A_668 : i32 to index
        %swap3A_671 = arith.index_cast %swap3A_669 : i32 to index
        %swap3A_672 = arith.index_cast %select_n3A_407 : i32 to index
        %swap3A_673 = arith.index_cast %mul3A_425 : i32 to index
        %swap3A_674 = tpu.vector_load %arg5[%swap3A_670, %swap3A_671, %swap3A_672, %swap3A_673] {strides = array<i32>} : memref<2x19x8x256xf32, #tpu.memory_space<vmem>>, vector<1x1x1x16xf32>,
        %swap3A_675 = vector.shape_cast %swap3A_674 : vector<1x1x1x16xf32> to vector<16xf32>
        %swap3A_676 = vector.shape_cast %select_n3A_667 : vector<16xf32> to vector<1x1x1x16xf32>
        tpu.vector_store %arg5[%swap3A_670, %swap3A_671, %swap3A_672, %swap3A_673], %swap3A_676 {strides = array<i32>} : memref<2x19x8x256xf32, #tpu.memory_space<vmem>>, vector<1x1x1x16xf32>,
        %eq3A_677 = arith.constant 16 : i32
        %eq3A_678 = vector.broadcast %eq3A_677 : i32 to vector<16xi32>
        %eq3A_679 = arith.cmpi eq, %get3A_430, %eq3A_678 : vector<16xi32>
        %jit3A_680 = arith.constant 0.899999976 : f32
        %broadcast_in_dim3A_681 = vector.broadcast %jit3A_680 : f32 to vector<16xf32>
        %select_n3A_682 = arith.select %eq3A_679, %broadcast_in_dim3A_681, %select_n3A_437 : vector<16xi1>, vector<16xf32>
        %swap3A_683 = arith.constant 0 : i32
        %swap3A_684 = arith.constant 16 : i32
        %swap3A_685 = arith.index_cast %swap3A_683 : i32 to index
        %swap3A_686 = arith.index_cast %swap3A_684 : i32 to index
        %swap3A_687 = arith.index_cast %select_n3A_407 : i32 to index
        %swap3A_688 = arith.index_cast %mul3A_425 : i32 to index
        %swap3A_689 = tpu.vector_load %arg5[%swap3A_685, %swap3A_686, %swap3A_687, %swap3A_688] {strides = array<i32>} : memref<2x19x8x256xf32, #tpu.memory_space<vmem>>, vector<1x1x1x16xf32>,
        %swap3A_690 = vector.shape_cast %swap3A_689 : vector<1x1x1x16xf32> to vector<16xf32>
        %swap3A_691 = vector.shape_cast %select_n3A_682 : vector<16xf32> to vector<1x1x1x16xf32>
        tpu.vector_store %arg5[%swap3A_685, %swap3A_686, %swap3A_687, %swap3A_688], %swap3A_691 {strides = array<i32>} : memref<2x19x8x256xf32, #tpu.memory_space<vmem>>, vector<1x1x1x16xf32>,
        %eq3A_692 = arith.constant 17 : i32
        %eq3A_693 = vector.broadcast %eq3A_692 : i32 to vector<16xi32>
        %eq3A_694 = arith.cmpi eq, %get3A_430, %eq3A_693 : vector<16xi32>
        %jit3A_695 = arith.constant 0.899999976 : f32
        %broadcast_in_dim3A_696 = vector.broadcast %jit3A_695 : f32 to vector<16xf32>
        %select_n3A_697 = arith.select %eq3A_694, %broadcast_in_dim3A_696, %select_n3A_437 : vector<16xi1>, vector<16xf32>
        %swap3A_698 = arith.constant 0 : i32
        %swap3A_699 = arith.constant 17 : i32
        %swap3A_700 = arith.index_cast %swap3A_698 : i32 to index
        %swap3A_701 = arith.index_cast %swap3A_699 : i32 to index
        %swap3A_702 = arith.index_cast %select_n3A_407 : i32 to index
        %swap3A_703 = arith.index_cast %mul3A_425 : i32 to index
        %swap3A_704 = tpu.vector_load %arg5[%swap3A_700, %swap3A_701, %swap3A_702, %swap3A_703] {strides = array<i32>} : memref<2x19x8x256xf32, #tpu.memory_space<vmem>>, vector<1x1x1x16xf32>,
        %swap3A_705 = vector.shape_cast %swap3A_704 : vector<1x1x1x16xf32> to vector<16xf32>
        %swap3A_706 = vector.shape_cast %select_n3A_697 : vector<16xf32> to vector<1x1x1x16xf32>
        tpu.vector_store %arg5[%swap3A_700, %swap3A_701, %swap3A_702, %swap3A_703], %swap3A_706 {strides = array<i32>} : memref<2x19x8x256xf32, #tpu.memory_space<vmem>>, vector<1x1x1x16xf32>,
        %eq3A_707 = arith.constant 18 : i32
        %eq3A_708 = vector.broadcast %eq3A_707 : i32 to vector<16xi32>
        %eq3A_709 = arith.cmpi eq, %get3A_430, %eq3A_708 : vector<16xi32>
        %jit3A_710 = arith.constant 0.899999976 : f32
        %broadcast_in_dim3A_711 = vector.broadcast %jit3A_710 : f32 to vector<16xf32>
        %select_n3A_712 = arith.select %eq3A_709, %broadcast_in_dim3A_711, %select_n3A_437 : vector<16xi1>, vector<16xf32>
        %swap3A_713 = arith.constant 0 : i32
        %swap3A_714 = arith.constant 18 : i32
        %swap3A_715 = arith.index_cast %swap3A_713 : i32 to index
        %swap3A_716 = arith.index_cast %swap3A_714 : i32 to index
        %swap3A_717 = arith.index_cast %select_n3A_407 : i32 to index
        %swap3A_718 = arith.index_cast %mul3A_425 : i32 to index
        %swap3A_719 = tpu.vector_load %arg5[%swap3A_715, %swap3A_716, %swap3A_717, %swap3A_718] {strides = array<i32>} : memref<2x19x8x256xf32, #tpu.memory_space<vmem>>, vector<1x1x1x16xf32>,
        %swap3A_720 = vector.shape_cast %swap3A_719 : vector<1x1x1x16xf32> to vector<16xf32>
        %swap3A_721 = vector.shape_cast %select_n3A_712 : vector<16xf32> to vector<1x1x1x16xf32>
        tpu.vector_store %arg5[%swap3A_715, %swap3A_716, %swap3A_717, %swap3A_718], %swap3A_721 {strides = array<i32>} : memref<2x19x8x256xf32, #tpu.memory_space<vmem>>, vector<1x1x1x16xf32>,
      }
      %scan3A_177 = arith.constant 128 : i32
      %mul3A_178 = arith.constant 128 : i32
      %mul3A_179 = arith.muli %select_n3A_30, %mul3A_178 : i32
      %jit3A_180 = arith.constant 2 : i32
      %div3A_181 = arith.divsi %add3A_113, %jit3A_180 : i32
      %sign3A_182 = arith.constant 0 : i32
      %sign3A_183 = arith.cmpi sgt, %add3A_113, %sign3A_182 : i32
      %sign3A_184 = arith.extui %sign3A_183 : i1 to i32
      %sign3A_185 = arith.constant 0 : i32
      %sign3A_186 = arith.cmpi slt, %add3A_113, %sign3A_185 : i32
      %sign3A_187 = arith.extui %sign3A_186 : i1 to i32
      %sign3A_188 = arith.subi %sign3A_184, %sign3A_187 : i32
      %sign3A_189 = arith.constant 0 : i32
      %sign3A_190 = arith.cmpi sgt, %jit3A_180, %sign3A_189 : i32
      %sign3A_191 = arith.extui %sign3A_190 : i1 to i32
      %sign3A_192 = arith.constant 0 : i32
      %sign3A_193 = arith.cmpi slt, %jit3A_180, %sign3A_192 : i32
      %sign3A_194 = arith.extui %sign3A_193 : i1 to i32
      %sign3A_195 = arith.subi %sign3A_191, %sign3A_194 : i32
      %ne3A_196 = arith.cmpi ne, %sign3A_188, %sign3A_195 : i32
      %rem3A_197 = arith.remsi %add3A_113, %jit3A_180 : i32
      %ne3A_198 = arith.constant 0 : i32
      %ne3A_199 = arith.cmpi ne, %rem3A_197, %ne3A_198 : i32
      %and3A_200 = arith.andi %ne3A_196, %ne3A_199 : i1
      %sub3A_201 = arith.constant 1 : i32
      %sub3A_202 = arith.subi %div3A_181, %sub3A_201 : i32
      %select_n3A_203 = arith.select %and3A_200, %sub3A_202, %div3A_181 : i32
      %mul3A_204 = arith.constant 8 : i32
      %mul3A_205 = arith.muli %select_n3A_203, %mul3A_204 : i32
      %add3A_206 = arith.addi %mul3A_179, %mul3A_205 : i32
      %jit3A_207 = arith.constant 2 : i32
      %eq3A_208 = arith.constant 0 : i32
      %eq3A_209 = arith.cmpi eq, %jit3A_207, %eq3A_208 : i32
      %jit3A_210 = arith.constant 1 : i32
      %select_n3A_211 = arith.select %eq3A_209, %jit3A_210, %jit3A_207 : i32
      %rem3A_212 = arith.remsi %add3A_113, %select_n3A_211 : i32
      %ne3A_213 = arith.constant 0 : i32
      %ne3A_214 = arith.cmpi ne, %rem3A_212, %ne3A_213 : i32
      %lt3A_215 = arith.constant 0 : i32
      %lt3A_216 = arith.cmpi slt, %rem3A_212, %lt3A_215 : i32
      %lt3A_217 = arith.constant 0 : i32
      %lt3A_218 = arith.cmpi slt, %select_n3A_211, %lt3A_217 : i32
      %ne3A_219 = arith.xori %lt3A_216, %lt3A_218 : i1
      %and3A_220 = arith.andi %ne3A_219, %ne3A_214 : i1
      %add3A_221 = arith.addi %rem3A_212, %select_n3A_211 : i32
      %select_n3A_222 = arith.select %and3A_220, %add3A_221, %rem3A_212 : i32
      %mul3A_223 = arith.constant 256 : i32
      %mul3A_224 = arith.muli %select_n3A_222, %mul3A_223 : i32
      %dma_start3A_225 = arith.constant 0 : i32
      %dma_start3A_226 = arith.constant 0 : i32
      %dma_start3A_227 = arith.constant 0 : i32
      %dma_start3A_228 = arith.constant 0 : i32
      %dma_start3A_229 = tpu.memref_slice %arg5[%dma_start3A_225, %dma_start3A_226, %dma_start3A_227, %dma_start3A_228] : memref<2x19x8x256xf32, #tpu.memory_space<vmem>> -> memref<1x19x8x256xf32, #tpu.memory_space<vmem>>
      %dma_start3A_230 = tpu.memref_squeeze %dma_start3A_229 : memref<1x19x8x256xf32, #tpu.memory_space<vmem>> -> memref<19x8x256xf32, #tpu.memory_space<vmem>>
      %dma_start3A_231 = tpu.memref_slice %arg3[%mul3A_37, %add3A_206, %mul3A_224] : memref<152x512x512xf32, #tpu.memory_space<hbm>> -> memref<19x8x256xf32, #tpu.memory_space<hbm>>
      %dma_start3A_232 = tpu.memref_slice %arg3[%mul3A_37, %add3A_206, %mul3A_224] : memref<152x512x512xf32, #tpu.memory_space<hbm>> -> memref<19x8x256xf32, #tpu.memory_space<hbm>>
      %dma_start3A_233 = arith.constant 0 : i32
      %dma_start3A_234 = arith.constant 0 : i32
      %dma_start3A_235 = arith.constant 0 : i32
      %dma_start3A_236 = tpu.memref_slice %arg5[%dma_start3A_225, %dma_start3A_233, %dma_start3A_234, %dma_start3A_235] : memref<2x19x8x256xf32, #tpu.memory_space<vmem>> -> memref<1x19x8x256xf32, #tpu.memory_space<vmem>>
      %dma_start3A_237 = tpu.memref_squeeze %dma_start3A_236 : memref<1x19x8x256xf32, #tpu.memory_space<vmem>> -> memref<19x8x256xf32, #tpu.memory_space<vmem>>
      tpu.enqueue_dma source(%dma_start3A_237 : memref<19x8x256xf32, #tpu.memory_space<vmem>>) target(%dma_start3A_232 : memref<19x8x256xf32, #tpu.memory_space<hbm>>) target_semaphore(%arg8 : memref<!tpu.dma_semaphore, #tpu.memory_space<semaphore_mem>>)
      %add3A_238 = arith.constant 2 : i32
      %add3A_239 = arith.addi %add3A_113, %add3A_238 : i32
      %lt3A_240 = arith.constant 32 : i32
      %lt3A_241 = arith.cmpi slt, %add3A_239, %lt3A_240 : i32
      %convert_element_type3A_242 = arith.extui %lt3A_241 : i1 to i32
      %cond3A_243 = arith.constant 0 : i32
      %cond3A_244 = arith.cmpi ne, %convert_element_type3A_242, %cond3A_243 : i32
      scf.if %cond3A_244 {
        %add3A_383 = arith.constant 2 : i32
        %add3A_384 = arith.addi %add3A_113, %add3A_383 : i32
        %jit3A_385 = arith.constant 2 : i32
        %div3A_386 = arith.divsi %add3A_384, %jit3A_385 : i32
        %sign3A_387 = arith.constant 0 : i32
        %sign3A_388 = arith.cmpi sgt, %add3A_384, %sign3A_387 : i32
        %sign3A_389 = arith.extui %sign3A_388 : i1 to i32
        %sign3A_390 = arith.constant 0 : i32
        %sign3A_391 = arith.cmpi slt, %add3A_384, %sign3A_390 : i32
        %sign3A_392 = arith.extui %sign3A_391 : i1 to i32
        %sign3A_393 = arith.subi %sign3A_389, %sign3A_392 : i32
        %sign3A_394 = arith.constant 0 : i32
        %sign3A_395 = arith.cmpi sgt, %jit3A_385, %sign3A_394 : i32
        %sign3A_396 = arith.extui %sign3A_395 : i1 to i32
        %sign3A_397 = arith.constant 0 : i32
        %sign3A_398 = arith.cmpi slt, %jit3A_385, %sign3A_397 : i32
        %sign3A_399 = arith.extui %sign3A_398 : i1 to i32
        %sign3A_400 = arith.subi %sign3A_396, %sign3A_399 : i32
        %ne3A_401 = arith.cmpi ne, %sign3A_393, %sign3A_400 : i32
        %rem3A_402 = arith.remsi %add3A_384, %jit3A_385 : i32
        %ne3A_403 = arith.constant 0 : i32
        %ne3A_404 = arith.cmpi ne, %rem3A_402, %ne3A_403 : i32
        %and3A_405 = arith.andi %ne3A_401, %ne3A_404 : i1
        %sub3A_406 = arith.constant 1 : i32
        %sub3A_407 = arith.subi %div3A_386, %sub3A_406 : i32
        %select_n3A_408 = arith.select %and3A_405, %sub3A_407, %div3A_386 : i32
        %mul3A_409 = arith.constant 8 : i32
        %mul3A_410 = arith.muli %select_n3A_408, %mul3A_409 : i32
        %jit3A_411 = arith.constant 2 : i32
        %eq3A_412 = arith.constant 0 : i32
        %eq3A_413 = arith.cmpi eq, %jit3A_411, %eq3A_412 : i32
        %jit3A_414 = arith.constant 1 : i32
        %select_n3A_415 = arith.select %eq3A_413, %jit3A_414, %jit3A_411 : i32
        %rem3A_416 = arith.remsi %add3A_384, %select_n3A_415 : i32
        %ne3A_417 = arith.constant 0 : i32
        %ne3A_418 = arith.cmpi ne, %rem3A_416, %ne3A_417 : i32
        %lt3A_419 = arith.constant 0 : i32
        %lt3A_420 = arith.cmpi slt, %rem3A_416, %lt3A_419 : i32
        %lt3A_421 = arith.constant 0 : i32
        %lt3A_422 = arith.cmpi slt, %select_n3A_415, %lt3A_421 : i32
        %ne3A_423 = arith.xori %lt3A_420, %lt3A_422 : i1
        %and3A_424 = arith.andi %ne3A_423, %ne3A_418 : i1
        %add3A_425 = arith.addi %rem3A_416, %select_n3A_415 : i32
        %select_n3A_426 = arith.select %and3A_424, %add3A_425, %rem3A_416 : i32
        %mul3A_427 = arith.constant 256 : i32
        %mul3A_428 = arith.muli %select_n3A_426, %mul3A_427 : i32
        %add3A_429 = arith.addi %add3A_35, %mul3A_410 : i32
        %dma_start3A_430 = arith.constant 0 : i32
        %dma_start3A_431 = arith.constant 0 : i32
        %dma_start3A_432 = arith.constant 0 : i32
        %dma_start3A_433 = tpu.memref_slice %arg4[%dma_start3A_430, %dma_start3A_431, %dma_start3A_432] : memref<2x8x256xi32, #tpu.memory_space<vmem>> -> memref<1x8x256xi32, #tpu.memory_space<vmem>>
        %dma_start3A_434 = tpu.memref_squeeze %dma_start3A_433 : memref<1x8x256xi32, #tpu.memory_space<vmem>> -> memref<8x256xi32, #tpu.memory_space<vmem>>
        %dma_start3A_435 = tpu.memref_slice %arg2[%add3A_429, %mul3A_428] : memref<4096x512xi32, #tpu.memory_space<hbm>> -> memref<8x256xi32, #tpu.memory_space<hbm>>
        %dma_start3A_436 = arith.constant 0 : i32
        %dma_start3A_437 = arith.constant 0 : i32
        %dma_start3A_438 = tpu.memref_slice %arg4[%dma_start3A_430, %dma_start3A_436, %dma_start3A_437] : memref<2x8x256xi32, #tpu.memory_space<vmem>> -> memref<1x8x256xi32, #tpu.memory_space<vmem>>
        %dma_start3A_439 = tpu.memref_squeeze %dma_start3A_438 : memref<1x8x256xi32, #tpu.memory_space<vmem>> -> memref<8x256xi32, #tpu.memory_space<vmem>>
        %dma_start3A_440 = tpu.memref_slice %arg2[%add3A_429, %mul3A_428] : memref<4096x512xi32, #tpu.memory_space<hbm>> -> memref<8x256xi32, #tpu.memory_space<hbm>>
        tpu.enqueue_dma source(%dma_start3A_440 : memref<8x256xi32, #tpu.memory_space<hbm>>) target(%dma_start3A_439 : memref<8x256xi32, #tpu.memory_space<vmem>>) target_semaphore(%arg6 : memref<!tpu.dma_semaphore, #tpu.memory_space<semaphore_mem>>)
      } else {
      }
      %mul3A_245 = arith.constant 2 : i32
      %mul3A_246 = arith.muli %mul3A_245, %scan3A_109 : i32
      %add3A_247 = arith.constant 1 : i32
      %add3A_248 = arith.addi %mul3A_246, %add3A_247 : i32
      %jit3A_249 = arith.constant 2 : i32
      %div3A_250 = arith.divsi %add3A_248, %jit3A_249 : i32
      %sign3A_251 = arith.constant 0 : i32
      %sign3A_252 = arith.cmpi sgt, %add3A_248, %sign3A_251 : i32
      %sign3A_253 = arith.extui %sign3A_252 : i1 to i32
      %sign3A_254 = arith.constant 0 : i32
      %sign3A_255 = arith.cmpi slt, %add3A_248, %sign3A_254 : i32
      %sign3A_256 = arith.extui %sign3A_255 : i1 to i32
      %sign3A_257 = arith.subi %sign3A_253, %sign3A_256 : i32
      %sign3A_258 = arith.constant 0 : i32
      %sign3A_259 = arith.cmpi sgt, %jit3A_249, %sign3A_258 : i32
      %sign3A_260 = arith.extui %sign3A_259 : i1 to i32
      %sign3A_261 = arith.constant 0 : i32
      %sign3A_262 = arith.cmpi slt, %jit3A_249, %sign3A_261 : i32
      %sign3A_263 = arith.extui %sign3A_262 : i1 to i32
      %sign3A_264 = arith.subi %sign3A_260, %sign3A_263 : i32
      %ne3A_265 = arith.cmpi ne, %sign3A_257, %sign3A_264 : i32
      %rem3A_266 = arith.remsi %add3A_248, %jit3A_249 : i32
      %ne3A_267 = arith.constant 0 : i32
      %ne3A_268 = arith.cmpi ne, %rem3A_266, %ne3A_267 : i32
      %and3A_269 = arith.andi %ne3A_265, %ne3A_268 : i1
      %sub3A_270 = arith.constant 1 : i32
      %sub3A_271 = arith.subi %div3A_250, %sub3A_270 : i32
      %select_n3A_272 = arith.select %and3A_269, %sub3A_271, %div3A_250 : i32
      %mul3A_273 = arith.constant 8 : i32
      %mul3A_274 = arith.muli %select_n3A_272, %mul3A_273 : i32
      %jit3A_275 = arith.constant 2 : i32
      %eq3A_276 = arith.constant 0 : i32
      %eq3A_277 = arith.cmpi eq, %jit3A_275, %eq3A_276 : i32
      %jit3A_278 = arith.constant 1 : i32
      %select_n3A_279 = arith.select %eq3A_277, %jit3A_278, %jit3A_275 : i32
      %rem3A_280 = arith.remsi %add3A_248, %select_n3A_279 : i32
      %ne3A_281 = arith.constant 0 : i32
      %ne3A_282 = arith.cmpi ne, %rem3A_280, %ne3A_281 : i32
      %lt3A_283 = arith.constant 0 : i32
      %lt3A_284 = arith.cmpi slt, %rem3A_280, %lt3A_283 : i32
      %lt3A_285 = arith.constant 0 : i32
      %lt3A_286 = arith.cmpi slt, %select_n3A_279, %lt3A_285 : i32
      %ne3A_287 = arith.xori %lt3A_284, %lt3A_286 : i1
      %and3A_288 = arith.andi %ne3A_287, %ne3A_282 : i1
      %add3A_289 = arith.addi %rem3A_280, %select_n3A_279 : i32
      %select_n3A_290 = arith.select %and3A_288, %add3A_289, %rem3A_280 : i32
      %mul3A_291 = arith.constant 256 : i32
      %mul3A_292 = arith.muli %select_n3A_290, %mul3A_291 : i32
      %add3A_293 = arith.addi %add3A_35, %mul3A_274 : i32
      %dma_wait3A_294 = arith.constant 1 : i32
      %dma_wait3A_295 = arith.constant 0 : i32
      %dma_wait3A_296 = arith.constant 0 : i32
      %dma_wait3A_297 = tpu.memref_slice %arg4[%dma_wait3A_294, %dma_wait3A_295, %dma_wait3A_296] : memref<2x8x256xi32, #tpu.memory_space<vmem>> -> memref<1x8x256xi32, #tpu.memory_space<vmem>>
      %dma_wait3A_298 = tpu.memref_squeeze %dma_wait3A_297 : memref<1x8x256xi32, #tpu.memory_space<vmem>> -> memref<8x256xi32, #tpu.memory_space<vmem>>
      %dma_wait3A_299 = tpu.memref_slice %arg2[%add3A_293, %mul3A_292] : memref<4096x512xi32, #tpu.memory_space<hbm>> -> memref<8x256xi32, #tpu.memory_space<hbm>>
      %dma_wait3A_300 = arith.constant 0 : i32
      %dma_wait3A_301 = arith.constant 0 : i32
      %dma_wait3A_302 = tpu.memref_slice %arg4[%dma_wait3A_294, %dma_wait3A_300, %dma_wait3A_301] : memref<2x8x256xi32, #tpu.memory_space<vmem>> -> memref<1x8x256xi32, #tpu.memory_space<vmem>>
      %dma_wait3A_303 = tpu.memref_squeeze %dma_wait3A_302 : memref<1x8x256xi32, #tpu.memory_space<vmem>> -> memref<8x256xi32, #tpu.memory_space<vmem>>
      %dma_wait3A_304 = tpu.memref_slice %arg2[%add3A_293, %mul3A_292] : memref<4096x512xi32, #tpu.memory_space<hbm>> -> memref<8x256xi32, #tpu.memory_space<hbm>>
      tpu.wait_dma2 semaphore(%arg7 : memref<!tpu.dma_semaphore, #tpu.memory_space<semaphore_mem>>) src(%dma_wait3A_304 : memref<8x256xi32, #tpu.memory_space<hbm>>) dst(%dma_wait3A_303 : memref<8x256xi32, #tpu.memory_space<vmem>>)
      %ge3A_305 = arith.constant 1 : i32
      %ge3A_306 = arith.cmpi sge, %scan3A_109, %ge3A_305 : i32
      %convert_element_type3A_307 = arith.extui %ge3A_306 : i1 to i32
      %cond3A_308 = arith.constant 0 : i32
      %cond3A_309 = arith.cmpi ne, %convert_element_type3A_307, %cond3A_308 : i32
      scf.if %cond3A_309 {
        %sub3A_383 = arith.constant 2 : i32
        %sub3A_384 = arith.subi %add3A_248, %sub3A_383 : i32
        %mul3A_385 = arith.constant 128 : i32
        %mul3A_386 = arith.muli %select_n3A_30, %mul3A_385 : i32
        %jit3A_387 = arith.constant 2 : i32
        %div3A_388 = arith.divsi %sub3A_384, %jit3A_387 : i32
        %sign3A_389 = arith.constant 0 : i32
        %sign3A_390 = arith.cmpi sgt, %sub3A_384, %sign3A_389 : i32
        %sign3A_391 = arith.extui %sign3A_390 : i1 to i32
        %sign3A_392 = arith.constant 0 : i32
        %sign3A_393 = arith.cmpi slt, %sub3A_384, %sign3A_392 : i32
        %sign3A_394 = arith.extui %sign3A_393 : i1 to i32
        %sign3A_395 = arith.subi %sign3A_391, %sign3A_394 : i32
        %sign3A_396 = arith.constant 0 : i32
        %sign3A_397 = arith.cmpi sgt, %jit3A_387, %sign3A_396 : i32
        %sign3A_398 = arith.extui %sign3A_397 : i1 to i32
        %sign3A_399 = arith.constant 0 : i32
        %sign3A_400 = arith.cmpi slt, %jit3A_387, %sign3A_399 : i32
        %sign3A_401 = arith.extui %sign3A_400 : i1 to i32
        %sign3A_402 = arith.subi %sign3A_398, %sign3A_401 : i32
        %ne3A_403 = arith.cmpi ne, %sign3A_395, %sign3A_402 : i32
        %rem3A_404 = arith.remsi %sub3A_384, %jit3A_387 : i32
        %ne3A_405 = arith.constant 0 : i32
        %ne3A_406 = arith.cmpi ne, %rem3A_404, %ne3A_405 : i32
        %and3A_407 = arith.andi %ne3A_403, %ne3A_406 : i1
        %sub3A_408 = arith.constant 1 : i32
        %sub3A_409 = arith.subi %div3A_388, %sub3A_408 : i32
        %select_n3A_410 = arith.select %and3A_407, %sub3A_409, %div3A_388 : i32
        %mul3A_411 = arith.constant 8 : i32
        %mul3A_412 = arith.muli %select_n3A_410, %mul3A_411 : i32
        %add3A_413 = arith.addi %mul3A_386, %mul3A_412 : i32
        %jit3A_414 = arith.constant 2 : i32
        %eq3A_415 = arith.constant 0 : i32
        %eq3A_416 = arith.cmpi eq, %jit3A_414, %eq3A_415 : i32
        %jit3A_417 = arith.constant 1 : i32
        %select_n3A_418 = arith.select %eq3A_416, %jit3A_417, %jit3A_414 : i32
        %rem3A_419 = arith.remsi %sub3A_384, %select_n3A_418 : i32
        %ne3A_420 = arith.constant 0 : i32
        %ne3A_421 = arith.cmpi ne, %rem3A_419, %ne3A_420 : i32
        %lt3A_422 = arith.constant 0 : i32
        %lt3A_423 = arith.cmpi slt, %rem3A_419, %lt3A_422 : i32
        %lt3A_424 = arith.constant 0 : i32
        %lt3A_425 = arith.cmpi slt, %select_n3A_418, %lt3A_424 : i32
        %ne3A_426 = arith.xori %lt3A_423, %lt3A_425 : i1
        %and3A_427 = arith.andi %ne3A_426, %ne3A_421 : i1
        %add3A_428 = arith.addi %rem3A_419, %select_n3A_418 : i32
        %select_n3A_429 = arith.select %and3A_427, %add3A_428, %rem3A_419 : i32
        %mul3A_430 = arith.constant 256 : i32
        %mul3A_431 = arith.muli %select_n3A_429, %mul3A_430 : i32
        %dma_wait3A_432 = arith.constant 1 : i32
        %dma_wait3A_433 = arith.constant 0 : i32
        %dma_wait3A_434 = arith.constant 0 : i32
        %dma_wait3A_435 = arith.constant 0 : i32
        %dma_wait3A_436 = tpu.memref_slice %arg5[%dma_wait3A_432, %dma_wait3A_433, %dma_wait3A_434, %dma_wait3A_435] : memref<2x19x8x256xf32, #tpu.memory_space<vmem>> -> memref<1x19x8x256xf32, #tpu.memory_space<vmem>>
        %dma_wait3A_437 = tpu.memref_squeeze %dma_wait3A_436 : memref<1x19x8x256xf32, #tpu.memory_space<vmem>> -> memref<19x8x256xf32, #tpu.memory_space<vmem>>
        %dma_wait3A_438 = tpu.memref_slice %arg3[%mul3A_37, %add3A_413, %mul3A_431] : memref<152x512x512xf32, #tpu.memory_space<hbm>> -> memref<19x8x256xf32, #tpu.memory_space<hbm>>
        %dma_wait3A_439 = tpu.memref_slice %arg3[%mul3A_37, %add3A_413, %mul3A_431] : memref<152x512x512xf32, #tpu.memory_space<hbm>> -> memref<19x8x256xf32, #tpu.memory_space<hbm>>
        %dma_wait3A_440 = arith.constant 0 : i32
        %dma_wait3A_441 = arith.constant 0 : i32
        %dma_wait3A_442 = arith.constant 0 : i32
        %dma_wait3A_443 = tpu.memref_slice %arg5[%dma_wait3A_432, %dma_wait3A_440, %dma_wait3A_441, %dma_wait3A_442] : memref<2x19x8x256xf32, #tpu.memory_space<vmem>> -> memref<1x19x8x256xf32, #tpu.memory_space<vmem>>
        %dma_wait3A_444 = tpu.memref_squeeze %dma_wait3A_443 : memref<1x19x8x256xf32, #tpu.memory_space<vmem>> -> memref<19x8x256xf32, #tpu.memory_space<vmem>>
        tpu.wait_dma2 semaphore(%arg9 : memref<!tpu.dma_semaphore, #tpu.memory_space<semaphore_mem>>) src(%dma_wait3A_444 : memref<19x8x256xf32, #tpu.memory_space<vmem>>) dst(%dma_wait3A_439 : memref<19x8x256xf32, #tpu.memory_space<hbm>>)
      } else {
      }
      %scan3A_310 = arith.constant 0 : i32
      %scan3A_311 = arith.constant 0 : i32
      %scan3A_312 = arith.constant 128 : i32
      %scan3A_313 = arith.addi %scan3A_311, %scan3A_312 : i32
      %scan3A_314 = arith.constant 1 : i32
      scf.for %scan3A_383 = %scan3A_311 to %scan3A_313 step %scan3A_314  : i32 {
        %jit3A_384 = arith.constant 16 : i32
        %div3A_385 = arith.divsi %scan3A_383, %jit3A_384 : i32
        %sign3A_386 = arith.constant 0 : i32
        %sign3A_387 = arith.cmpi sgt, %scan3A_383, %sign3A_386 : i32
        %sign3A_388 = arith.extui %sign3A_387 : i1 to i32
        %sign3A_389 = arith.constant 0 : i32
        %sign3A_390 = arith.cmpi slt, %scan3A_383, %sign3A_389 : i32
        %sign3A_391 = arith.extui %sign3A_390 : i1 to i32
        %sign3A_392 = arith.subi %sign3A_388, %sign3A_391 : i32
        %sign3A_393 = arith.constant 0 : i32
        %sign3A_394 = arith.cmpi sgt, %jit3A_384, %sign3A_393 : i32
        %sign3A_395 = arith.extui %sign3A_394 : i1 to i32
        %sign3A_396 = arith.constant 0 : i32
        %sign3A_397 = arith.cmpi slt, %jit3A_384, %sign3A_396 : i32
        %sign3A_398 = arith.extui %sign3A_397 : i1 to i32
        %sign3A_399 = arith.subi %sign3A_395, %sign3A_398 : i32
        %ne3A_400 = arith.cmpi ne, %sign3A_392, %sign3A_399 : i32
        %rem3A_401 = arith.remsi %scan3A_383, %jit3A_384 : i32
        %ne3A_402 = arith.constant 0 : i32
        %ne3A_403 = arith.cmpi ne, %rem3A_401, %ne3A_402 : i32
        %and3A_404 = arith.andi %ne3A_400, %ne3A_403 : i1
        %sub3A_405 = arith.constant 1 : i32
        %sub3A_406 = arith.subi %div3A_385, %sub3A_405 : i32
        %select_n3A_407 = arith.select %and3A_404, %sub3A_406, %div3A_385 : i32
        %jit3A_408 = arith.constant 16 : i32
        %eq3A_409 = arith.constant 0 : i32
        %eq3A_410 = arith.cmpi eq, %jit3A_408, %eq3A_409 : i32
        %jit3A_411 = arith.constant 1 : i32
        %select_n3A_412 = arith.select %eq3A_410, %jit3A_411, %jit3A_408 : i32
        %rem3A_413 = arith.remsi %scan3A_383, %select_n3A_412 : i32
        %ne3A_414 = arith.constant 0 : i32
        %ne3A_415 = arith.cmpi ne, %rem3A_413, %ne3A_414 : i32
        %lt3A_416 = arith.constant 0 : i32
        %lt3A_417 = arith.cmpi slt, %rem3A_413, %lt3A_416 : i32
        %lt3A_418 = arith.constant 0 : i32
        %lt3A_419 = arith.cmpi slt, %select_n3A_412, %lt3A_418 : i32
        %ne3A_420 = arith.xori %lt3A_417, %lt3A_419 : i1
        %and3A_421 = arith.andi %ne3A_420, %ne3A_415 : i1
        %add3A_422 = arith.addi %rem3A_413, %select_n3A_412 : i32
        %select_n3A_423 = arith.select %and3A_421, %add3A_422, %rem3A_413 : i32
        %mul3A_424 = arith.constant 16 : i32
        %mul3A_425 = arith.muli %select_n3A_423, %mul3A_424 : i32
        %get3A = arith.constant 1 : i32
        %get3A_426 = arith.index_cast %get3A : i32 to index
        %get3A_427 = arith.index_cast %select_n3A_407 : i32 to index
        %get3A_428 = arith.index_cast %mul3A_425 : i32 to index
        %get3A_429 = tpu.vector_load %arg4[%get3A_426, %get3A_427, %get3A_428] {strides = array<i32>} : memref<2x8x256xi32, #tpu.memory_space<vmem>>, vector<1x1x16xi32>,
        %get3A_430 = vector.shape_cast %get3A_429 : vector<1x1x16xi32> to vector<16xi32>
        %eq3A_431 = arith.constant 255 : i32
        %eq3A_432 = vector.broadcast %eq3A_431 : i32 to vector<16xi32>
        %eq3A_433 = arith.cmpi eq, %get3A_430, %eq3A_432 : vector<16xi32>
        %jit3A_434 = arith.constant 0.000000e+00 : f32
        %jit3A_435 = arith.constant 0.00526315812 : f32
        %broadcast_in_dim3A = vector.broadcast %jit3A_434 : f32 to vector<16xf32>
        %broadcast_in_dim3A_436 = vector.broadcast %jit3A_435 : f32 to vector<16xf32>
        %select_n3A_437 = arith.select %eq3A_433, %broadcast_in_dim3A, %broadcast_in_dim3A_436 : vector<16xi1>, vector<16xf32>
        %eq3A_438 = arith.constant 0 : i32
        %eq3A_439 = vector.broadcast %eq3A_438 : i32 to vector<16xi32>
        %eq3A_440 = arith.cmpi eq, %get3A_430, %eq3A_439 : vector<16xi32>
        %jit3A_441 = arith.constant 0.899999976 : f32
        %broadcast_in_dim3A_442 = vector.broadcast %jit3A_441 : f32 to vector<16xf32>
        %select_n3A_443 = arith.select %eq3A_440, %broadcast_in_dim3A_442, %select_n3A_437 : vector<16xi1>, vector<16xf32>
        %swap3A = arith.constant 1 : i32
        %swap3A_444 = arith.constant 0 : i32
        %swap3A_445 = arith.index_cast %swap3A : i32 to index
        %swap3A_446 = arith.index_cast %swap3A_444 : i32 to index
        %swap3A_447 = arith.index_cast %select_n3A_407 : i32 to index
        %swap3A_448 = arith.index_cast %mul3A_425 : i32 to index
        %swap3A_449 = tpu.vector_load %arg5[%swap3A_445, %swap3A_446, %swap3A_447, %swap3A_448] {strides = array<i32>} : memref<2x19x8x256xf32, #tpu.memory_space<vmem>>, vector<1x1x1x16xf32>,
        %swap3A_450 = vector.shape_cast %swap3A_449 : vector<1x1x1x16xf32> to vector<16xf32>
        %swap3A_451 = vector.shape_cast %select_n3A_443 : vector<16xf32> to vector<1x1x1x16xf32>
        tpu.vector_store %arg5[%swap3A_445, %swap3A_446, %swap3A_447, %swap3A_448], %swap3A_451 {strides = array<i32>} : memref<2x19x8x256xf32, #tpu.memory_space<vmem>>, vector<1x1x1x16xf32>,
        %eq3A_452 = arith.constant 1 : i32
        %eq3A_453 = vector.broadcast %eq3A_452 : i32 to vector<16xi32>
        %eq3A_454 = arith.cmpi eq, %get3A_430, %eq3A_453 : vector<16xi32>
        %jit3A_455 = arith.constant 0.899999976 : f32
        %broadcast_in_dim3A_456 = vector.broadcast %jit3A_455 : f32 to vector<16xf32>
        %select_n3A_457 = arith.select %eq3A_454, %broadcast_in_dim3A_456, %select_n3A_437 : vector<16xi1>, vector<16xf32>
        %swap3A_458 = arith.constant 1 : i32
        %swap3A_459 = arith.constant 1 : i32
        %swap3A_460 = arith.index_cast %swap3A_458 : i32 to index
        %swap3A_461 = arith.index_cast %swap3A_459 : i32 to index
        %swap3A_462 = arith.index_cast %select_n3A_407 : i32 to index
        %swap3A_463 = arith.index_cast %mul3A_425 : i32 to index
        %swap3A_464 = tpu.vector_load %arg5[%swap3A_460, %swap3A_461, %swap3A_462, %swap3A_463] {strides = array<i32>} : memref<2x19x8x256xf32, #tpu.memory_space<vmem>>, vector<1x1x1x16xf32>,
        %swap3A_465 = vector.shape_cast %swap3A_464 : vector<1x1x1x16xf32> to vector<16xf32>
        %swap3A_466 = vector.shape_cast %select_n3A_457 : vector<16xf32> to vector<1x1x1x16xf32>
        tpu.vector_store %arg5[%swap3A_460, %swap3A_461, %swap3A_462, %swap3A_463], %swap3A_466 {strides = array<i32>} : memref<2x19x8x256xf32, #tpu.memory_space<vmem>>, vector<1x1x1x16xf32>,
        %eq3A_467 = arith.constant 2 : i32
        %eq3A_468 = vector.broadcast %eq3A_467 : i32 to vector<16xi32>
        %eq3A_469 = arith.cmpi eq, %get3A_430, %eq3A_468 : vector<16xi32>
        %jit3A_470 = arith.constant 0.899999976 : f32
        %broadcast_in_dim3A_471 = vector.broadcast %jit3A_470 : f32 to vector<16xf32>
        %select_n3A_472 = arith.select %eq3A_469, %broadcast_in_dim3A_471, %select_n3A_437 : vector<16xi1>, vector<16xf32>
        %swap3A_473 = arith.constant 1 : i32
        %swap3A_474 = arith.constant 2 : i32
        %swap3A_475 = arith.index_cast %swap3A_473 : i32 to index
        %swap3A_476 = arith.index_cast %swap3A_474 : i32 to index
        %swap3A_477 = arith.index_cast %select_n3A_407 : i32 to index
        %swap3A_478 = arith.index_cast %mul3A_425 : i32 to index
        %swap3A_479 = tpu.vector_load %arg5[%swap3A_475, %swap3A_476, %swap3A_477, %swap3A_478] {strides = array<i32>} : memref<2x19x8x256xf32, #tpu.memory_space<vmem>>, vector<1x1x1x16xf32>,
        %swap3A_480 = vector.shape_cast %swap3A_479 : vector<1x1x1x16xf32> to vector<16xf32>
        %swap3A_481 = vector.shape_cast %select_n3A_472 : vector<16xf32> to vector<1x1x1x16xf32>
        tpu.vector_store %arg5[%swap3A_475, %swap3A_476, %swap3A_477, %swap3A_478], %swap3A_481 {strides = array<i32>} : memref<2x19x8x256xf32, #tpu.memory_space<vmem>>, vector<1x1x1x16xf32>,
        %eq3A_482 = arith.constant 3 : i32
        %eq3A_483 = vector.broadcast %eq3A_482 : i32 to vector<16xi32>
        %eq3A_484 = arith.cmpi eq, %get3A_430, %eq3A_483 : vector<16xi32>
        %jit3A_485 = arith.constant 0.899999976 : f32
        %broadcast_in_dim3A_486 = vector.broadcast %jit3A_485 : f32 to vector<16xf32>
        %select_n3A_487 = arith.select %eq3A_484, %broadcast_in_dim3A_486, %select_n3A_437 : vector<16xi1>, vector<16xf32>
        %swap3A_488 = arith.constant 1 : i32
        %swap3A_489 = arith.constant 3 : i32
        %swap3A_490 = arith.index_cast %swap3A_488 : i32 to index
        %swap3A_491 = arith.index_cast %swap3A_489 : i32 to index
        %swap3A_492 = arith.index_cast %select_n3A_407 : i32 to index
        %swap3A_493 = arith.index_cast %mul3A_425 : i32 to index
        %swap3A_494 = tpu.vector_load %arg5[%swap3A_490, %swap3A_491, %swap3A_492, %swap3A_493] {strides = array<i32>} : memref<2x19x8x256xf32, #tpu.memory_space<vmem>>, vector<1x1x1x16xf32>,
        %swap3A_495 = vector.shape_cast %swap3A_494 : vector<1x1x1x16xf32> to vector<16xf32>
        %swap3A_496 = vector.shape_cast %select_n3A_487 : vector<16xf32> to vector<1x1x1x16xf32>
        tpu.vector_store %arg5[%swap3A_490, %swap3A_491, %swap3A_492, %swap3A_493], %swap3A_496 {strides = array<i32>} : memref<2x19x8x256xf32, #tpu.memory_space<vmem>>, vector<1x1x1x16xf32>,
        %eq3A_497 = arith.constant 4 : i32
        %eq3A_498 = vector.broadcast %eq3A_497 : i32 to vector<16xi32>
        %eq3A_499 = arith.cmpi eq, %get3A_430, %eq3A_498 : vector<16xi32>
        %jit3A_500 = arith.constant 0.899999976 : f32
        %broadcast_in_dim3A_501 = vector.broadcast %jit3A_500 : f32 to vector<16xf32>
        %select_n3A_502 = arith.select %eq3A_499, %broadcast_in_dim3A_501, %select_n3A_437 : vector<16xi1>, vector<16xf32>
        %swap3A_503 = arith.constant 1 : i32
        %swap3A_504 = arith.constant 4 : i32
        %swap3A_505 = arith.index_cast %swap3A_503 : i32 to index
        %swap3A_506 = arith.index_cast %swap3A_504 : i32 to index
        %swap3A_507 = arith.index_cast %select_n3A_407 : i32 to index
        %swap3A_508 = arith.index_cast %mul3A_425 : i32 to index
        %swap3A_509 = tpu.vector_load %arg5[%swap3A_505, %swap3A_506, %swap3A_507, %swap3A_508] {strides = array<i32>} : memref<2x19x8x256xf32, #tpu.memory_space<vmem>>, vector<1x1x1x16xf32>,
        %swap3A_510 = vector.shape_cast %swap3A_509 : vector<1x1x1x16xf32> to vector<16xf32>
        %swap3A_511 = vector.shape_cast %select_n3A_502 : vector<16xf32> to vector<1x1x1x16xf32>
        tpu.vector_store %arg5[%swap3A_505, %swap3A_506, %swap3A_507, %swap3A_508], %swap3A_511 {strides = array<i32>} : memref<2x19x8x256xf32, #tpu.memory_space<vmem>>, vector<1x1x1x16xf32>,
        %eq3A_512 = arith.constant 5 : i32
        %eq3A_513 = vector.broadcast %eq3A_512 : i32 to vector<16xi32>
        %eq3A_514 = arith.cmpi eq, %get3A_430, %eq3A_513 : vector<16xi32>
        %jit3A_515 = arith.constant 0.899999976 : f32
        %broadcast_in_dim3A_516 = vector.broadcast %jit3A_515 : f32 to vector<16xf32>
        %select_n3A_517 = arith.select %eq3A_514, %broadcast_in_dim3A_516, %select_n3A_437 : vector<16xi1>, vector<16xf32>
        %swap3A_518 = arith.constant 1 : i32
        %swap3A_519 = arith.constant 5 : i32
        %swap3A_520 = arith.index_cast %swap3A_518 : i32 to index
        %swap3A_521 = arith.index_cast %swap3A_519 : i32 to index
        %swap3A_522 = arith.index_cast %select_n3A_407 : i32 to index
        %swap3A_523 = arith.index_cast %mul3A_425 : i32 to index
        %swap3A_524 = tpu.vector_load %arg5[%swap3A_520, %swap3A_521, %swap3A_522, %swap3A_523] {strides = array<i32>} : memref<2x19x8x256xf32, #tpu.memory_space<vmem>>, vector<1x1x1x16xf32>,
        %swap3A_525 = vector.shape_cast %swap3A_524 : vector<1x1x1x16xf32> to vector<16xf32>
        %swap3A_526 = vector.shape_cast %select_n3A_517 : vector<16xf32> to vector<1x1x1x16xf32>
        tpu.vector_store %arg5[%swap3A_520, %swap3A_521, %swap3A_522, %swap3A_523], %swap3A_526 {strides = array<i32>} : memref<2x19x8x256xf32, #tpu.memory_space<vmem>>, vector<1x1x1x16xf32>,
        %eq3A_527 = arith.constant 6 : i32
        %eq3A_528 = vector.broadcast %eq3A_527 : i32 to vector<16xi32>
        %eq3A_529 = arith.cmpi eq, %get3A_430, %eq3A_528 : vector<16xi32>
        %jit3A_530 = arith.constant 0.899999976 : f32
        %broadcast_in_dim3A_531 = vector.broadcast %jit3A_530 : f32 to vector<16xf32>
        %select_n3A_532 = arith.select %eq3A_529, %broadcast_in_dim3A_531, %select_n3A_437 : vector<16xi1>, vector<16xf32>
        %swap3A_533 = arith.constant 1 : i32
        %swap3A_534 = arith.constant 6 : i32
        %swap3A_535 = arith.index_cast %swap3A_533 : i32 to index
        %swap3A_536 = arith.index_cast %swap3A_534 : i32 to index
        %swap3A_537 = arith.index_cast %select_n3A_407 : i32 to index
        %swap3A_538 = arith.index_cast %mul3A_425 : i32 to index
        %swap3A_539 = tpu.vector_load %arg5[%swap3A_535, %swap3A_536, %swap3A_537, %swap3A_538] {strides = array<i32>} : memref<2x19x8x256xf32, #tpu.memory_space<vmem>>, vector<1x1x1x16xf32>,
        %swap3A_540 = vector.shape_cast %swap3A_539 : vector<1x1x1x16xf32> to vector<16xf32>
        %swap3A_541 = vector.shape_cast %select_n3A_532 : vector<16xf32> to vector<1x1x1x16xf32>
        tpu.vector_store %arg5[%swap3A_535, %swap3A_536, %swap3A_537, %swap3A_538], %swap3A_541 {strides = array<i32>} : memref<2x19x8x256xf32, #tpu.memory_space<vmem>>, vector<1x1x1x16xf32>,
        %eq3A_542 = arith.constant 7 : i32
        %eq3A_543 = vector.broadcast %eq3A_542 : i32 to vector<16xi32>
        %eq3A_544 = arith.cmpi eq, %get3A_430, %eq3A_543 : vector<16xi32>
        %jit3A_545 = arith.constant 0.899999976 : f32
        %broadcast_in_dim3A_546 = vector.broadcast %jit3A_545 : f32 to vector<16xf32>
        %select_n3A_547 = arith.select %eq3A_544, %broadcast_in_dim3A_546, %select_n3A_437 : vector<16xi1>, vector<16xf32>
        %swap3A_548 = arith.constant 1 : i32
        %swap3A_549 = arith.constant 7 : i32
        %swap3A_550 = arith.index_cast %swap3A_548 : i32 to index
        %swap3A_551 = arith.index_cast %swap3A_549 : i32 to index
        %swap3A_552 = arith.index_cast %select_n3A_407 : i32 to index
        %swap3A_553 = arith.index_cast %mul3A_425 : i32 to index
        %swap3A_554 = tpu.vector_load %arg5[%swap3A_550, %swap3A_551, %swap3A_552, %swap3A_553] {strides = array<i32>} : memref<2x19x8x256xf32, #tpu.memory_space<vmem>>, vector<1x1x1x16xf32>,
        %swap3A_555 = vector.shape_cast %swap3A_554 : vector<1x1x1x16xf32> to vector<16xf32>
        %swap3A_556 = vector.shape_cast %select_n3A_547 : vector<16xf32> to vector<1x1x1x16xf32>
        tpu.vector_store %arg5[%swap3A_550, %swap3A_551, %swap3A_552, %swap3A_553], %swap3A_556 {strides = array<i32>} : memref<2x19x8x256xf32, #tpu.memory_space<vmem>>, vector<1x1x1x16xf32>,
        %eq3A_557 = arith.constant 8 : i32
        %eq3A_558 = vector.broadcast %eq3A_557 : i32 to vector<16xi32>
        %eq3A_559 = arith.cmpi eq, %get3A_430, %eq3A_558 : vector<16xi32>
        %jit3A_560 = arith.constant 0.899999976 : f32
        %broadcast_in_dim3A_561 = vector.broadcast %jit3A_560 : f32 to vector<16xf32>
        %select_n3A_562 = arith.select %eq3A_559, %broadcast_in_dim3A_561, %select_n3A_437 : vector<16xi1>, vector<16xf32>
        %swap3A_563 = arith.constant 1 : i32
        %swap3A_564 = arith.constant 8 : i32
        %swap3A_565 = arith.index_cast %swap3A_563 : i32 to index
        %swap3A_566 = arith.index_cast %swap3A_564 : i32 to index
        %swap3A_567 = arith.index_cast %select_n3A_407 : i32 to index
        %swap3A_568 = arith.index_cast %mul3A_425 : i32 to index
        %swap3A_569 = tpu.vector_load %arg5[%swap3A_565, %swap3A_566, %swap3A_567, %swap3A_568] {strides = array<i32>} : memref<2x19x8x256xf32, #tpu.memory_space<vmem>>, vector<1x1x1x16xf32>,
        %swap3A_570 = vector.shape_cast %swap3A_569 : vector<1x1x1x16xf32> to vector<16xf32>
        %swap3A_571 = vector.shape_cast %select_n3A_562 : vector<16xf32> to vector<1x1x1x16xf32>
        tpu.vector_store %arg5[%swap3A_565, %swap3A_566, %swap3A_567, %swap3A_568], %swap3A_571 {strides = array<i32>} : memref<2x19x8x256xf32, #tpu.memory_space<vmem>>, vector<1x1x1x16xf32>,
        %eq3A_572 = arith.constant 9 : i32
        %eq3A_573 = vector.broadcast %eq3A_572 : i32 to vector<16xi32>
        %eq3A_574 = arith.cmpi eq, %get3A_430, %eq3A_573 : vector<16xi32>
        %jit3A_575 = arith.constant 0.899999976 : f32
        %broadcast_in_dim3A_576 = vector.broadcast %jit3A_575 : f32 to vector<16xf32>
        %select_n3A_577 = arith.select %eq3A_574, %broadcast_in_dim3A_576, %select_n3A_437 : vector<16xi1>, vector<16xf32>
        %swap3A_578 = arith.constant 1 : i32
        %swap3A_579 = arith.constant 9 : i32
        %swap3A_580 = arith.index_cast %swap3A_578 : i32 to index
        %swap3A_581 = arith.index_cast %swap3A_579 : i32 to index
        %swap3A_582 = arith.index_cast %select_n3A_407 : i32 to index
        %swap3A_583 = arith.index_cast %mul3A_425 : i32 to index
        %swap3A_584 = tpu.vector_load %arg5[%swap3A_580, %swap3A_581, %swap3A_582, %swap3A_583] {strides = array<i32>} : memref<2x19x8x256xf32, #tpu.memory_space<vmem>>, vector<1x1x1x16xf32>,
        %swap3A_585 = vector.shape_cast %swap3A_584 : vector<1x1x1x16xf32> to vector<16xf32>
        %swap3A_586 = vector.shape_cast %select_n3A_577 : vector<16xf32> to vector<1x1x1x16xf32>
        tpu.vector_store %arg5[%swap3A_580, %swap3A_581, %swap3A_582, %swap3A_583], %swap3A_586 {strides = array<i32>} : memref<2x19x8x256xf32, #tpu.memory_space<vmem>>, vector<1x1x1x16xf32>,
        %eq3A_587 = arith.constant 10 : i32
        %eq3A_588 = vector.broadcast %eq3A_587 : i32 to vector<16xi32>
        %eq3A_589 = arith.cmpi eq, %get3A_430, %eq3A_588 : vector<16xi32>
        %jit3A_590 = arith.constant 0.899999976 : f32
        %broadcast_in_dim3A_591 = vector.broadcast %jit3A_590 : f32 to vector<16xf32>
        %select_n3A_592 = arith.select %eq3A_589, %broadcast_in_dim3A_591, %select_n3A_437 : vector<16xi1>, vector<16xf32>
        %swap3A_593 = arith.constant 1 : i32
        %swap3A_594 = arith.constant 10 : i32
        %swap3A_595 = arith.index_cast %swap3A_593 : i32 to index
        %swap3A_596 = arith.index_cast %swap3A_594 : i32 to index
        %swap3A_597 = arith.index_cast %select_n3A_407 : i32 to index
        %swap3A_598 = arith.index_cast %mul3A_425 : i32 to index
        %swap3A_599 = tpu.vector_load %arg5[%swap3A_595, %swap3A_596, %swap3A_597, %swap3A_598] {strides = array<i32>} : memref<2x19x8x256xf32, #tpu.memory_space<vmem>>, vector<1x1x1x16xf32>,
        %swap3A_600 = vector.shape_cast %swap3A_599 : vector<1x1x1x16xf32> to vector<16xf32>
        %swap3A_601 = vector.shape_cast %select_n3A_592 : vector<16xf32> to vector<1x1x1x16xf32>
        tpu.vector_store %arg5[%swap3A_595, %swap3A_596, %swap3A_597, %swap3A_598], %swap3A_601 {strides = array<i32>} : memref<2x19x8x256xf32, #tpu.memory_space<vmem>>, vector<1x1x1x16xf32>,
        %eq3A_602 = arith.constant 11 : i32
        %eq3A_603 = vector.broadcast %eq3A_602 : i32 to vector<16xi32>
        %eq3A_604 = arith.cmpi eq, %get3A_430, %eq3A_603 : vector<16xi32>
        %jit3A_605 = arith.constant 0.899999976 : f32
        %broadcast_in_dim3A_606 = vector.broadcast %jit3A_605 : f32 to vector<16xf32>
        %select_n3A_607 = arith.select %eq3A_604, %broadcast_in_dim3A_606, %select_n3A_437 : vector<16xi1>, vector<16xf32>
        %swap3A_608 = arith.constant 1 : i32
        %swap3A_609 = arith.constant 11 : i32
        %swap3A_610 = arith.index_cast %swap3A_608 : i32 to index
        %swap3A_611 = arith.index_cast %swap3A_609 : i32 to index
        %swap3A_612 = arith.index_cast %select_n3A_407 : i32 to index
        %swap3A_613 = arith.index_cast %mul3A_425 : i32 to index
        %swap3A_614 = tpu.vector_load %arg5[%swap3A_610, %swap3A_611, %swap3A_612, %swap3A_613] {strides = array<i32>} : memref<2x19x8x256xf32, #tpu.memory_space<vmem>>, vector<1x1x1x16xf32>,
        %swap3A_615 = vector.shape_cast %swap3A_614 : vector<1x1x1x16xf32> to vector<16xf32>
        %swap3A_616 = vector.shape_cast %select_n3A_607 : vector<16xf32> to vector<1x1x1x16xf32>
        tpu.vector_store %arg5[%swap3A_610, %swap3A_611, %swap3A_612, %swap3A_613], %swap3A_616 {strides = array<i32>} : memref<2x19x8x256xf32, #tpu.memory_space<vmem>>, vector<1x1x1x16xf32>,
        %eq3A_617 = arith.constant 12 : i32
        %eq3A_618 = vector.broadcast %eq3A_617 : i32 to vector<16xi32>
        %eq3A_619 = arith.cmpi eq, %get3A_430, %eq3A_618 : vector<16xi32>
        %jit3A_620 = arith.constant 0.899999976 : f32
        %broadcast_in_dim3A_621 = vector.broadcast %jit3A_620 : f32 to vector<16xf32>
        %select_n3A_622 = arith.select %eq3A_619, %broadcast_in_dim3A_621, %select_n3A_437 : vector<16xi1>, vector<16xf32>
        %swap3A_623 = arith.constant 1 : i32
        %swap3A_624 = arith.constant 12 : i32
        %swap3A_625 = arith.index_cast %swap3A_623 : i32 to index
        %swap3A_626 = arith.index_cast %swap3A_624 : i32 to index
        %swap3A_627 = arith.index_cast %select_n3A_407 : i32 to index
        %swap3A_628 = arith.index_cast %mul3A_425 : i32 to index
        %swap3A_629 = tpu.vector_load %arg5[%swap3A_625, %swap3A_626, %swap3A_627, %swap3A_628] {strides = array<i32>} : memref<2x19x8x256xf32, #tpu.memory_space<vmem>>, vector<1x1x1x16xf32>,
        %swap3A_630 = vector.shape_cast %swap3A_629 : vector<1x1x1x16xf32> to vector<16xf32>
        %swap3A_631 = vector.shape_cast %select_n3A_622 : vector<16xf32> to vector<1x1x1x16xf32>
        tpu.vector_store %arg5[%swap3A_625, %swap3A_626, %swap3A_627, %swap3A_628], %swap3A_631 {strides = array<i32>} : memref<2x19x8x256xf32, #tpu.memory_space<vmem>>, vector<1x1x1x16xf32>,
        %eq3A_632 = arith.constant 13 : i32
        %eq3A_633 = vector.broadcast %eq3A_632 : i32 to vector<16xi32>
        %eq3A_634 = arith.cmpi eq, %get3A_430, %eq3A_633 : vector<16xi32>
        %jit3A_635 = arith.constant 0.899999976 : f32
        %broadcast_in_dim3A_636 = vector.broadcast %jit3A_635 : f32 to vector<16xf32>
        %select_n3A_637 = arith.select %eq3A_634, %broadcast_in_dim3A_636, %select_n3A_437 : vector<16xi1>, vector<16xf32>
        %swap3A_638 = arith.constant 1 : i32
        %swap3A_639 = arith.constant 13 : i32
        %swap3A_640 = arith.index_cast %swap3A_638 : i32 to index
        %swap3A_641 = arith.index_cast %swap3A_639 : i32 to index
        %swap3A_642 = arith.index_cast %select_n3A_407 : i32 to index
        %swap3A_643 = arith.index_cast %mul3A_425 : i32 to index
        %swap3A_644 = tpu.vector_load %arg5[%swap3A_640, %swap3A_641, %swap3A_642, %swap3A_643] {strides = array<i32>} : memref<2x19x8x256xf32, #tpu.memory_space<vmem>>, vector<1x1x1x16xf32>,
        %swap3A_645 = vector.shape_cast %swap3A_644 : vector<1x1x1x16xf32> to vector<16xf32>
        %swap3A_646 = vector.shape_cast %select_n3A_637 : vector<16xf32> to vector<1x1x1x16xf32>
        tpu.vector_store %arg5[%swap3A_640, %swap3A_641, %swap3A_642, %swap3A_643], %swap3A_646 {strides = array<i32>} : memref<2x19x8x256xf32, #tpu.memory_space<vmem>>, vector<1x1x1x16xf32>,
        %eq3A_647 = arith.constant 14 : i32
        %eq3A_648 = vector.broadcast %eq3A_647 : i32 to vector<16xi32>
        %eq3A_649 = arith.cmpi eq, %get3A_430, %eq3A_648 : vector<16xi32>
        %jit3A_650 = arith.constant 0.899999976 : f32
        %broadcast_in_dim3A_651 = vector.broadcast %jit3A_650 : f32 to vector<16xf32>
        %select_n3A_652 = arith.select %eq3A_649, %broadcast_in_dim3A_651, %select_n3A_437 : vector<16xi1>, vector<16xf32>
        %swap3A_653 = arith.constant 1 : i32
        %swap3A_654 = arith.constant 14 : i32
        %swap3A_655 = arith.index_cast %swap3A_653 : i32 to index
        %swap3A_656 = arith.index_cast %swap3A_654 : i32 to index
        %swap3A_657 = arith.index_cast %select_n3A_407 : i32 to index
        %swap3A_658 = arith.index_cast %mul3A_425 : i32 to index
        %swap3A_659 = tpu.vector_load %arg5[%swap3A_655, %swap3A_656, %swap3A_657, %swap3A_658] {strides = array<i32>} : memref<2x19x8x256xf32, #tpu.memory_space<vmem>>, vector<1x1x1x16xf32>,
        %swap3A_660 = vector.shape_cast %swap3A_659 : vector<1x1x1x16xf32> to vector<16xf32>
        %swap3A_661 = vector.shape_cast %select_n3A_652 : vector<16xf32> to vector<1x1x1x16xf32>
        tpu.vector_store %arg5[%swap3A_655, %swap3A_656, %swap3A_657, %swap3A_658], %swap3A_661 {strides = array<i32>} : memref<2x19x8x256xf32, #tpu.memory_space<vmem>>, vector<1x1x1x16xf32>,
        %eq3A_662 = arith.constant 15 : i32
        %eq3A_663 = vector.broadcast %eq3A_662 : i32 to vector<16xi32>
        %eq3A_664 = arith.cmpi eq, %get3A_430, %eq3A_663 : vector<16xi32>
        %jit3A_665 = arith.constant 0.899999976 : f32
        %broadcast_in_dim3A_666 = vector.broadcast %jit3A_665 : f32 to vector<16xf32>
        %select_n3A_667 = arith.select %eq3A_664, %broadcast_in_dim3A_666, %select_n3A_437 : vector<16xi1>, vector<16xf32>
        %swap3A_668 = arith.constant 1 : i32
        %swap3A_669 = arith.constant 15 : i32
        %swap3A_670 = arith.index_cast %swap3A_668 : i32 to index
        %swap3A_671 = arith.index_cast %swap3A_669 : i32 to index
        %swap3A_672 = arith.index_cast %select_n3A_407 : i32 to index
        %swap3A_673 = arith.index_cast %mul3A_425 : i32 to index
        %swap3A_674 = tpu.vector_load %arg5[%swap3A_670, %swap3A_671, %swap3A_672, %swap3A_673] {strides = array<i32>} : memref<2x19x8x256xf32, #tpu.memory_space<vmem>>, vector<1x1x1x16xf32>,
        %swap3A_675 = vector.shape_cast %swap3A_674 : vector<1x1x1x16xf32> to vector<16xf32>
        %swap3A_676 = vector.shape_cast %select_n3A_667 : vector<16xf32> to vector<1x1x1x16xf32>
        tpu.vector_store %arg5[%swap3A_670, %swap3A_671, %swap3A_672, %swap3A_673], %swap3A_676 {strides = array<i32>} : memref<2x19x8x256xf32, #tpu.memory_space<vmem>>, vector<1x1x1x16xf32>,
        %eq3A_677 = arith.constant 16 : i32
        %eq3A_678 = vector.broadcast %eq3A_677 : i32 to vector<16xi32>
        %eq3A_679 = arith.cmpi eq, %get3A_430, %eq3A_678 : vector<16xi32>
        %jit3A_680 = arith.constant 0.899999976 : f32
        %broadcast_in_dim3A_681 = vector.broadcast %jit3A_680 : f32 to vector<16xf32>
        %select_n3A_682 = arith.select %eq3A_679, %broadcast_in_dim3A_681, %select_n3A_437 : vector<16xi1>, vector<16xf32>
        %swap3A_683 = arith.constant 1 : i32
        %swap3A_684 = arith.constant 16 : i32
        %swap3A_685 = arith.index_cast %swap3A_683 : i32 to index
        %swap3A_686 = arith.index_cast %swap3A_684 : i32 to index
        %swap3A_687 = arith.index_cast %select_n3A_407 : i32 to index
        %swap3A_688 = arith.index_cast %mul3A_425 : i32 to index
        %swap3A_689 = tpu.vector_load %arg5[%swap3A_685, %swap3A_686, %swap3A_687, %swap3A_688] {strides = array<i32>} : memref<2x19x8x256xf32, #tpu.memory_space<vmem>>, vector<1x1x1x16xf32>,
        %swap3A_690 = vector.shape_cast %swap3A_689 : vector<1x1x1x16xf32> to vector<16xf32>
        %swap3A_691 = vector.shape_cast %select_n3A_682 : vector<16xf32> to vector<1x1x1x16xf32>
        tpu.vector_store %arg5[%swap3A_685, %swap3A_686, %swap3A_687, %swap3A_688], %swap3A_691 {strides = array<i32>} : memref<2x19x8x256xf32, #tpu.memory_space<vmem>>, vector<1x1x1x16xf32>,
        %eq3A_692 = arith.constant 17 : i32
        %eq3A_693 = vector.broadcast %eq3A_692 : i32 to vector<16xi32>
        %eq3A_694 = arith.cmpi eq, %get3A_430, %eq3A_693 : vector<16xi32>
        %jit3A_695 = arith.constant 0.899999976 : f32
        %broadcast_in_dim3A_696 = vector.broadcast %jit3A_695 : f32 to vector<16xf32>
        %select_n3A_697 = arith.select %eq3A_694, %broadcast_in_dim3A_696, %select_n3A_437 : vector<16xi1>, vector<16xf32>
        %swap3A_698 = arith.constant 1 : i32
        %swap3A_699 = arith.constant 17 : i32
        %swap3A_700 = arith.index_cast %swap3A_698 : i32 to index
        %swap3A_701 = arith.index_cast %swap3A_699 : i32 to index
        %swap3A_702 = arith.index_cast %select_n3A_407 : i32 to index
        %swap3A_703 = arith.index_cast %mul3A_425 : i32 to index
        %swap3A_704 = tpu.vector_load %arg5[%swap3A_700, %swap3A_701, %swap3A_702, %swap3A_703] {strides = array<i32>} : memref<2x19x8x256xf32, #tpu.memory_space<vmem>>, vector<1x1x1x16xf32>,
        %swap3A_705 = vector.shape_cast %swap3A_704 : vector<1x1x1x16xf32> to vector<16xf32>
        %swap3A_706 = vector.shape_cast %select_n3A_697 : vector<16xf32> to vector<1x1x1x16xf32>
        tpu.vector_store %arg5[%swap3A_700, %swap3A_701, %swap3A_702, %swap3A_703], %swap3A_706 {strides = array<i32>} : memref<2x19x8x256xf32, #tpu.memory_space<vmem>>, vector<1x1x1x16xf32>,
        %eq3A_707 = arith.constant 18 : i32
        %eq3A_708 = vector.broadcast %eq3A_707 : i32 to vector<16xi32>
        %eq3A_709 = arith.cmpi eq, %get3A_430, %eq3A_708 : vector<16xi32>
        %jit3A_710 = arith.constant 0.899999976 : f32
        %broadcast_in_dim3A_711 = vector.broadcast %jit3A_710 : f32 to vector<16xf32>
        %select_n3A_712 = arith.select %eq3A_709, %broadcast_in_dim3A_711, %select_n3A_437 : vector<16xi1>, vector<16xf32>
        %swap3A_713 = arith.constant 1 : i32
        %swap3A_714 = arith.constant 18 : i32
        %swap3A_715 = arith.index_cast %swap3A_713 : i32 to index
        %swap3A_716 = arith.index_cast %swap3A_714 : i32 to index
        %swap3A_717 = arith.index_cast %select_n3A_407 : i32 to index
        %swap3A_718 = arith.index_cast %mul3A_425 : i32 to index
        %swap3A_719 = tpu.vector_load %arg5[%swap3A_715, %swap3A_716, %swap3A_717, %swap3A_718] {strides = array<i32>} : memref<2x19x8x256xf32, #tpu.memory_space<vmem>>, vector<1x1x1x16xf32>,
        %swap3A_720 = vector.shape_cast %swap3A_719 : vector<1x1x1x16xf32> to vector<16xf32>
        %swap3A_721 = vector.shape_cast %select_n3A_712 : vector<16xf32> to vector<1x1x1x16xf32>
        tpu.vector_store %arg5[%swap3A_715, %swap3A_716, %swap3A_717, %swap3A_718], %swap3A_721 {strides = array<i32>} : memref<2x19x8x256xf32, #tpu.memory_space<vmem>>, vector<1x1x1x16xf32>,
      }
      %scan3A_315 = arith.constant 128 : i32
      %mul3A_316 = arith.constant 128 : i32
      %mul3A_317 = arith.muli %select_n3A_30, %mul3A_316 : i32
      %jit3A_318 = arith.constant 2 : i32
      %div3A_319 = arith.divsi %add3A_248, %jit3A_318 : i32
      %sign3A_320 = arith.constant 0 : i32
      %sign3A_321 = arith.cmpi sgt, %add3A_248, %sign3A_320 : i32
      %sign3A_322 = arith.extui %sign3A_321 : i1 to i32
      %sign3A_323 = arith.constant 0 : i32
      %sign3A_324 = arith.cmpi slt, %add3A_248, %sign3A_323 : i32
      %sign3A_325 = arith.extui %sign3A_324 : i1 to i32
      %sign3A_326 = arith.subi %sign3A_322, %sign3A_325 : i32
      %sign3A_327 = arith.constant 0 : i32
      %sign3A_328 = arith.cmpi sgt, %jit3A_318, %sign3A_327 : i32
      %sign3A_329 = arith.extui %sign3A_328 : i1 to i32
      %sign3A_330 = arith.constant 0 : i32
      %sign3A_331 = arith.cmpi slt, %jit3A_318, %sign3A_330 : i32
      %sign3A_332 = arith.extui %sign3A_331 : i1 to i32
      %sign3A_333 = arith.subi %sign3A_329, %sign3A_332 : i32
      %ne3A_334 = arith.cmpi ne, %sign3A_326, %sign3A_333 : i32
      %rem3A_335 = arith.remsi %add3A_248, %jit3A_318 : i32
      %ne3A_336 = arith.constant 0 : i32
      %ne3A_337 = arith.cmpi ne, %rem3A_335, %ne3A_336 : i32
      %and3A_338 = arith.andi %ne3A_334, %ne3A_337 : i1
      %sub3A_339 = arith.constant 1 : i32
      %sub3A_340 = arith.subi %div3A_319, %sub3A_339 : i32
      %select_n3A_341 = arith.select %and3A_338, %sub3A_340, %div3A_319 : i32
      %mul3A_342 = arith.constant 8 : i32
      %mul3A_343 = arith.muli %select_n3A_341, %mul3A_342 : i32
      %add3A_344 = arith.addi %mul3A_317, %mul3A_343 : i32
      %jit3A_345 = arith.constant 2 : i32
      %eq3A_346 = arith.constant 0 : i32
      %eq3A_347 = arith.cmpi eq, %jit3A_345, %eq3A_346 : i32
      %jit3A_348 = arith.constant 1 : i32
      %select_n3A_349 = arith.select %eq3A_347, %jit3A_348, %jit3A_345 : i32
      %rem3A_350 = arith.remsi %add3A_248, %select_n3A_349 : i32
      %ne3A_351 = arith.constant 0 : i32
      %ne3A_352 = arith.cmpi ne, %rem3A_350, %ne3A_351 : i32
      %lt3A_353 = arith.constant 0 : i32
      %lt3A_354 = arith.cmpi slt, %rem3A_350, %lt3A_353 : i32
      %lt3A_355 = arith.constant 0 : i32
      %lt3A_356 = arith.cmpi slt, %select_n3A_349, %lt3A_355 : i32
      %ne3A_357 = arith.xori %lt3A_354, %lt3A_356 : i1
      %and3A_358 = arith.andi %ne3A_357, %ne3A_352 : i1
      %add3A_359 = arith.addi %rem3A_350, %select_n3A_349 : i32
      %select_n3A_360 = arith.select %and3A_358, %add3A_359, %rem3A_350 : i32
      %mul3A_361 = arith.constant 256 : i32
      %mul3A_362 = arith.muli %select_n3A_360, %mul3A_361 : i32
      %dma_start3A_363 = arith.constant 1 : i32
      %dma_start3A_364 = arith.constant 0 : i32
      %dma_start3A_365 = arith.constant 0 : i32
      %dma_start3A_366 = arith.constant 0 : i32
      %dma_start3A_367 = tpu.memref_slice %arg5[%dma_start3A_363, %dma_start3A_364, %dma_start3A_365, %dma_start3A_366] : memref<2x19x8x256xf32, #tpu.memory_space<vmem>> -> memref<1x19x8x256xf32, #tpu.memory_space<vmem>>
      %dma_start3A_368 = tpu.memref_squeeze %dma_start3A_367 : memref<1x19x8x256xf32, #tpu.memory_space<vmem>> -> memref<19x8x256xf32, #tpu.memory_space<vmem>>
      %dma_start3A_369 = tpu.memref_slice %arg3[%mul3A_37, %add3A_344, %mul3A_362] : memref<152x512x512xf32, #tpu.memory_space<hbm>> -> memref<19x8x256xf32, #tpu.memory_space<hbm>>
      %dma_start3A_370 = tpu.memref_slice %arg3[%mul3A_37, %add3A_344, %mul3A_362] : memref<152x512x512xf32, #tpu.memory_space<hbm>> -> memref<19x8x256xf32, #tpu.memory_space<hbm>>
      %dma_start3A_371 = arith.constant 0 : i32
      %dma_start3A_372 = arith.constant 0 : i32
      %dma_start3A_373 = arith.constant 0 : i32
      %dma_start3A_374 = tpu.memref_slice %arg5[%dma_start3A_363, %dma_start3A_371, %dma_start3A_372, %dma_start3A_373] : memref<2x19x8x256xf32, #tpu.memory_space<vmem>> -> memref<1x19x8x256xf32, #tpu.memory_space<vmem>>
      %dma_start3A_375 = tpu.memref_squeeze %dma_start3A_374 : memref<1x19x8x256xf32, #tpu.memory_space<vmem>> -> memref<19x8x256xf32, #tpu.memory_space<vmem>>
      tpu.enqueue_dma source(%dma_start3A_375 : memref<19x8x256xf32, #tpu.memory_space<vmem>>) target(%dma_start3A_370 : memref<19x8x256xf32, #tpu.memory_space<hbm>>) target_semaphore(%arg9 : memref<!tpu.dma_semaphore, #tpu.memory_space<semaphore_mem>>)
      %add3A_376 = arith.constant 2 : i32
      %add3A_377 = arith.addi %add3A_248, %add3A_376 : i32
      %lt3A_378 = arith.constant 32 : i32
      %lt3A_379 = arith.cmpi slt, %add3A_377, %lt3A_378 : i32
      %convert_element_type3A_380 = arith.extui %lt3A_379 : i1 to i32
      %cond3A_381 = arith.constant 0 : i32
      %cond3A_382 = arith.cmpi ne, %convert_element_type3A_380, %cond3A_381 : i32
      scf.if %cond3A_382 {
        %add3A_383 = arith.constant 2 : i32
        %add3A_384 = arith.addi %add3A_248, %add3A_383 : i32
        %jit3A_385 = arith.constant 2 : i32
        %div3A_386 = arith.divsi %add3A_384, %jit3A_385 : i32
        %sign3A_387 = arith.constant 0 : i32
        %sign3A_388 = arith.cmpi sgt, %add3A_384, %sign3A_387 : i32
        %sign3A_389 = arith.extui %sign3A_388 : i1 to i32
        %sign3A_390 = arith.constant 0 : i32
        %sign3A_391 = arith.cmpi slt, %add3A_384, %sign3A_390 : i32
        %sign3A_392 = arith.extui %sign3A_391 : i1 to i32
        %sign3A_393 = arith.subi %sign3A_389, %sign3A_392 : i32
        %sign3A_394 = arith.constant 0 : i32
        %sign3A_395 = arith.cmpi sgt, %jit3A_385, %sign3A_394 : i32
        %sign3A_396 = arith.extui %sign3A_395 : i1 to i32
        %sign3A_397 = arith.constant 0 : i32
        %sign3A_398 = arith.cmpi slt, %jit3A_385, %sign3A_397 : i32
        %sign3A_399 = arith.extui %sign3A_398 : i1 to i32
        %sign3A_400 = arith.subi %sign3A_396, %sign3A_399 : i32
        %ne3A_401 = arith.cmpi ne, %sign3A_393, %sign3A_400 : i32
        %rem3A_402 = arith.remsi %add3A_384, %jit3A_385 : i32
        %ne3A_403 = arith.constant 0 : i32
        %ne3A_404 = arith.cmpi ne, %rem3A_402, %ne3A_403 : i32
        %and3A_405 = arith.andi %ne3A_401, %ne3A_404 : i1
        %sub3A_406 = arith.constant 1 : i32
        %sub3A_407 = arith.subi %div3A_386, %sub3A_406 : i32
        %select_n3A_408 = arith.select %and3A_405, %sub3A_407, %div3A_386 : i32
        %mul3A_409 = arith.constant 8 : i32
        %mul3A_410 = arith.muli %select_n3A_408, %mul3A_409 : i32
        %jit3A_411 = arith.constant 2 : i32
        %eq3A_412 = arith.constant 0 : i32
        %eq3A_413 = arith.cmpi eq, %jit3A_411, %eq3A_412 : i32
        %jit3A_414 = arith.constant 1 : i32
        %select_n3A_415 = arith.select %eq3A_413, %jit3A_414, %jit3A_411 : i32
        %rem3A_416 = arith.remsi %add3A_384, %select_n3A_415 : i32
        %ne3A_417 = arith.constant 0 : i32
        %ne3A_418 = arith.cmpi ne, %rem3A_416, %ne3A_417 : i32
        %lt3A_419 = arith.constant 0 : i32
        %lt3A_420 = arith.cmpi slt, %rem3A_416, %lt3A_419 : i32
        %lt3A_421 = arith.constant 0 : i32
        %lt3A_422 = arith.cmpi slt, %select_n3A_415, %lt3A_421 : i32
        %ne3A_423 = arith.xori %lt3A_420, %lt3A_422 : i1
        %and3A_424 = arith.andi %ne3A_423, %ne3A_418 : i1
        %add3A_425 = arith.addi %rem3A_416, %select_n3A_415 : i32
        %select_n3A_426 = arith.select %and3A_424, %add3A_425, %rem3A_416 : i32
        %mul3A_427 = arith.constant 256 : i32
        %mul3A_428 = arith.muli %select_n3A_426, %mul3A_427 : i32
        %add3A_429 = arith.addi %add3A_35, %mul3A_410 : i32
        %dma_start3A_430 = arith.constant 1 : i32
        %dma_start3A_431 = arith.constant 0 : i32
        %dma_start3A_432 = arith.constant 0 : i32
        %dma_start3A_433 = tpu.memref_slice %arg4[%dma_start3A_430, %dma_start3A_431, %dma_start3A_432] : memref<2x8x256xi32, #tpu.memory_space<vmem>> -> memref<1x8x256xi32, #tpu.memory_space<vmem>>
        %dma_start3A_434 = tpu.memref_squeeze %dma_start3A_433 : memref<1x8x256xi32, #tpu.memory_space<vmem>> -> memref<8x256xi32, #tpu.memory_space<vmem>>
        %dma_start3A_435 = tpu.memref_slice %arg2[%add3A_429, %mul3A_428] : memref<4096x512xi32, #tpu.memory_space<hbm>> -> memref<8x256xi32, #tpu.memory_space<hbm>>
        %dma_start3A_436 = arith.constant 0 : i32
        %dma_start3A_437 = arith.constant 0 : i32
        %dma_start3A_438 = tpu.memref_slice %arg4[%dma_start3A_430, %dma_start3A_436, %dma_start3A_437] : memref<2x8x256xi32, #tpu.memory_space<vmem>> -> memref<1x8x256xi32, #tpu.memory_space<vmem>>
        %dma_start3A_439 = tpu.memref_squeeze %dma_start3A_438 : memref<1x8x256xi32, #tpu.memory_space<vmem>> -> memref<8x256xi32, #tpu.memory_space<vmem>>
        %dma_start3A_440 = tpu.memref_slice %arg2[%add3A_429, %mul3A_428] : memref<4096x512xi32, #tpu.memory_space<hbm>> -> memref<8x256xi32, #tpu.memory_space<hbm>>
        tpu.enqueue_dma source(%dma_start3A_440 : memref<8x256xi32, #tpu.memory_space<hbm>>) target(%dma_start3A_439 : memref<8x256xi32, #tpu.memory_space<vmem>>) target_semaphore(%arg7 : memref<!tpu.dma_semaphore, #tpu.memory_space<semaphore_mem>>)
      } else {
      }
    }
    %scan3A_71 = arith.constant 16 : i32
    %mul3A_72 = arith.constant 128 : i32
    %mul3A_73 = arith.muli %select_n3A_30, %mul3A_72 : i32
    %add3A_74 = arith.constant 120 : i32
    %add3A_75 = arith.addi %mul3A_73, %add3A_74 : i32
    %dma_wait3A = arith.constant 0 : i32
    %dma_wait3A_76 = arith.constant 0 : i32
    %dma_wait3A_77 = arith.constant 0 : i32
    %dma_wait3A_78 = arith.constant 0 : i32
    %dma_wait3A_79 = tpu.memref_slice %arg5[%dma_wait3A, %dma_wait3A_76, %dma_wait3A_77, %dma_wait3A_78] : memref<2x19x8x256xf32, #tpu.memory_space<vmem>> -> memref<1x19x8x256xf32, #tpu.memory_space<vmem>>
    %dma_wait3A_80 = tpu.memref_squeeze %dma_wait3A_79 : memref<1x19x8x256xf32, #tpu.memory_space<vmem>> -> memref<19x8x256xf32, #tpu.memory_space<vmem>>
    %dma_wait3A_81 = arith.constant 0 : i32
    %dma_wait3A_82 = tpu.memref_slice %arg3[%mul3A_37, %add3A_75, %dma_wait3A_81] : memref<152x512x512xf32, #tpu.memory_space<hbm>> -> memref<19x8x256xf32, #tpu.memory_space<hbm>>
    %dma_wait3A_83 = arith.constant 0 : i32
    %dma_wait3A_84 = tpu.memref_slice %arg3[%mul3A_37, %add3A_75, %dma_wait3A_83] : memref<152x512x512xf32, #tpu.memory_space<hbm>> -> memref<19x8x256xf32, #tpu.memory_space<hbm>>
    %dma_wait3A_85 = arith.constant 0 : i32
    %dma_wait3A_86 = arith.constant 0 : i32
    %dma_wait3A_87 = arith.constant 0 : i32
    %dma_wait3A_88 = tpu.memref_slice %arg5[%dma_wait3A, %dma_wait3A_85, %dma_wait3A_86, %dma_wait3A_87] : memref<2x19x8x256xf32, #tpu.memory_space<vmem>> -> memref<1x19x8x256xf32, #tpu.memory_space<vmem>>
    %dma_wait3A_89 = tpu.memref_squeeze %dma_wait3A_88 : memref<1x19x8x256xf32, #tpu.memory_space<vmem>> -> memref<19x8x256xf32, #tpu.memory_space<vmem>>
    tpu.wait_dma2 semaphore(%arg8 : memref<!tpu.dma_semaphore, #tpu.memory_space<semaphore_mem>>) src(%dma_wait3A_89 : memref<19x8x256xf32, #tpu.memory_space<vmem>>) dst(%dma_wait3A_84 : memref<19x8x256xf32, #tpu.memory_space<hbm>>)
    %mul3A_90 = arith.constant 128 : i32
    %mul3A_91 = arith.muli %select_n3A_30, %mul3A_90 : i32
    %add3A_92 = arith.constant 120 : i32
    %add3A_93 = arith.addi %mul3A_91, %add3A_92 : i32
    %dma_wait3A_94 = arith.constant 1 : i32
    %dma_wait3A_95 = arith.constant 0 : i32
    %dma_wait3A_96 = arith.constant 0 : i32
    %dma_wait3A_97 = arith.constant 0 : i32
    %dma_wait3A_98 = tpu.memref_slice %arg5[%dma_wait3A_94, %dma_wait3A_95, %dma_wait3A_96, %dma_wait3A_97] : memref<2x19x8x256xf32, #tpu.memory_space<vmem>> -> memref<1x19x8x256xf32, #tpu.memory_space<vmem>>
    %dma_wait3A_99 = tpu.memref_squeeze %dma_wait3A_98 : memref<1x19x8x256xf32, #tpu.memory_space<vmem>> -> memref<19x8x256xf32, #tpu.memory_space<vmem>>
    %dma_wait3A_100 = arith.constant 256 : i32
    %dma_wait3A_101 = tpu.memref_slice %arg3[%mul3A_37, %add3A_93, %dma_wait3A_100] : memref<152x512x512xf32, #tpu.memory_space<hbm>> -> memref<19x8x256xf32, #tpu.memory_space<hbm>>
    %dma_wait3A_102 = arith.constant 256 : i32
    %dma_wait3A_103 = tpu.memref_slice %arg3[%mul3A_37, %add3A_93, %dma_wait3A_102] : memref<152x512x512xf32, #tpu.memory_space<hbm>> -> memref<19x8x256xf32, #tpu.memory_space<hbm>>
    %dma_wait3A_104 = arith.constant 0 : i32
    %dma_wait3A_105 = arith.constant 0 : i32
    %dma_wait3A_106 = arith.constant 0 : i32
    %dma_wait3A_107 = tpu.memref_slice %arg5[%dma_wait3A_94, %dma_wait3A_104, %dma_wait3A_105, %dma_wait3A_106] : memref<2x19x8x256xf32, #tpu.memory_space<vmem>> -> memref<1x19x8x256xf32, #tpu.memory_space<vmem>>
    %dma_wait3A_108 = tpu.memref_squeeze %dma_wait3A_107 : memref<1x19x8x256xf32, #tpu.memory_space<vmem>> -> memref<19x8x256xf32, #tpu.memory_space<vmem>>
    tpu.wait_dma2 semaphore(%arg9 : memref<!tpu.dma_semaphore, #tpu.memory_space<semaphore_mem>>) src(%dma_wait3A_108 : memref<19x8x256xf32, #tpu.memory_space<vmem>>) dst(%dma_wait3A_103 : memref<19x8x256xf32, #tpu.memory_space<hbm>>)
    return
  }
}

</mosaic_0001>

<sc_bundles>
// kernel: kernel.3.cloned.1.call-start
scs
__scs_entry_jumppad:
0x0: {  	(pc) =	sbr.rel $0x88, $3  }
0x1: {  	(tag) =	ssettag $0x0;
	lr =	simm.s32 $0x1  }
0x2: {  	[smem:$0x3FA0] =	sst lr;
	_ =	strace $0xD0000000  }
0x3: {  	_ = 	snop  }
0x4: {  	_ = 	snop  }
0x5: {  	_ = 	snop  }
0x6: {  	_ = 	snop  }
0x7: {  	_ = 	snop  }
__scs_overlays_trampoline_lowered:
0x8: {  	[smem:$0x3FAF] =	sst s0  }
0x9: {  	[smem:$0x3FB0] =	sst s1  }
0xa: {  	[smem:$0x3FB1] =	sst s2  }
0xb: {  	[smem:$0x3FB2] =	sst s3  }
0xc: {  	[smem:$0x3FB3] =	sst s4  }
0xd: {  	[smem:$0x3FB4] =	sst s5  }
0xe: {  	[smem:$0x3FB5] =	sst s6  }
0xf: {  	[smem:$0x3FB6] =	sst s7  }
0x10: {  	[smem:$0x3FB7] =	sst s8  }
0x11: {  	[smem:$0x3FB8] =	sst s9;
	s0 =	simm.s32 @!p0 $0x0  }
0x12: {  	s1 =	sld [smem:$0x3F9E];
	s0 =	simm.s32 @p0 $0x1  }
0x13: {  	[smem:$0x3FB9] =	sst s0;
	s0 =	simm.s32 @!p1 $0x0  }
0x14: {  	s2 =	sld [smem:$0x3F9D];
	s0 =	simm.s32 @p1 $0x1  }
0x15: {  	[smem:$0x3FBA] =	sst s0;
	s0 =	simm.s32 @!p2 $0x0  }
0x16: {  	s3 =	sld [smem:$0x3FDB];
	s0 =	simm.s32 @p2 $0x1  }
0x17: {  	s4 =	simm.s32 $0x1BF5;
	[smem:$0x3FBC] =	sst s0  }
0x18: {  	s0 =	sld [smem:$0x3F9F];
	_ =	swait.ge [sflag:s4], $0x0  }
0x19: {  	s7 =	sld [smem:$0x3FA0]  }
0x1a: {  	s8 =	sadd.s32 $0xFFFFE003, lr  }
0x1b: {  	s9 =	sadd.s32 $0xFFFFFEF7, lr;
	s5 =	simm.s32 $0xFFFFFFFF;
	p2 =	slt.u32 s8, $0xFFFFF086  }
0x1c: {  	p1 =	slt.u32 s9, $0xF7A;
	s5 =	simm.s32 @!p2 $0x0  }
0x1d: {  	s5 =	simm.s32 @p1 $0x1;
	p0 =	seq.s32 s7, s2  }
0x1e: {  	s7 =	smul.u32 @!p0 $0xF7A, s2;
	p2 =	seq.s32 @!p0 s5, $0x0  }
0x1f: {  	s9 =	smul.u32 $0xF7A, s1;
	s8 =	simm.s32 @!p0 $0x1BF5;
	p2 =	por !p2, p0  }
0x20: {  	[sflag:s8] =	ssyncset.s32 @!p0 $0xFFFFF086;
	s6 =	sadd.s32 @!p0 s3, s7;
	s7 =	simm.s32 @!p0 $0x108  }
0x21: {  	s3 =	sadd.s32 s3, s9;
	s6 =	sadd.s32 @!p0 $0x88, s6;
	s7 =	simm.s32 @p2 $0x1082  }
0x22: {  	[simem:s7], [sflag:s8] =	dma.local @!p0 [hbm:s6], $0xF7A  }
0x23: {  	s9 =	sor.u32 $0xD0000000, s2;
	s6 =	simm.s32 $0x108;
	_ =	swait.ge @!p0 [sflag:s8], $0x0  }
0x24: {  	s3 =	sadd.s32 $0x88, s3;
	s6 =	simm.s32 @!p1 $0x1082;
	[sflag:s4] =	ssyncset.s32 $0xFFFFF086  }
0x25: {  	[simem:s6], [sflag:s4] =	dma.local [hbm:s3], $0xF7A  }
0x26: {  	[smem:$0x3FA0] =	sst s1;
	(tag) =	ssettag s2;
	_ =	strace s9  }
0x27: {  	s1 =	sld [smem:$0x3FB0]  }
0x28: {  	s2 =	sld [smem:$0x3FB1]  }
0x29: {  	s4 =	sld [smem:$0x3FB3]  }
0x2a: {  	p0 =	seq.s32 s5, $0x0;
	s5 =	sld [smem:$0x3FB4]  }
0x2b: {  	s6 =	sld [smem:$0x3FB5]  }
0x2c: {  	s7 =	sld [smem:$0x3FB6]  }
0x2d: {  	s3 =	simm.s32 $0x108;
	s8 =	sld [smem:$0x3FB7]  }
0x2e: {  	s3 =	simm.s32 @!p0 $0x1082;
	s9 =	sld [smem:$0x3FB8]  }
0x2f: {  	lr =	sadd.s32 s0, s3;
	s0 =	sld [smem:$0x3FAF]  }
0x30: {  	s3 =	sld [smem:$0x3FB2]  }
0x31: {  	[smem:$0x3FBB] =	sst s10  }
0x32: {  	s10 =	sld [smem:$0x3FB9];
	_ =	sdelay $0x3  }
0x33: {  	p0 =	seq.s32 s10, $0x1;
	s10 =	sld [smem:$0x3FBB];
	_ =	sdelay $0x3  }
0x34: {  	[smem:$0x3FBB] =	sst s10  }
0x35: {  	s10 =	sld [smem:$0x3FBA];
	_ =	sdelay $0x3  }
0x36: {  	p1 =	seq.s32 s10, $0x1;
	s10 =	sld [smem:$0x3FBB];
	_ =	sdelay $0x3  }
0x37: {  	[smem:$0x3FBB] =	sst s10  }
0x38: {  	s10 =	sld [smem:$0x3FBC]  }
0x39: {  	_ = 	snop;
	(pc) =	sbr.ind lr, $3  }
0x3a: {  	_ = 	snop  }
0x3b: {  	_ = 	snop  }
0x3c: {  	p2 =	seq.s32 s10, $0x1;
	s10 =	sld [smem:$0x3FBB]  }
0x3d: {  	_ =	shalt  }
0x3e: {  	_ =	shalt  }
0x3f: {  	_ =	shalt  }
0x40: {  	_ =	shalt  }
0x41: {  	_ =	shalt  }
0x42: {  	_ =	shalt  }
0x43: {  	_ =	shalt  }
0x44: {  	_ =	shalt  }
0x45: {  	_ =	shalt  }
0x46: {  	_ =	shalt  }
0x47: {  	_ =	shalt  }
0x48: {  	_ =	shalt  }
0x49: {  	_ =	shalt  }
0x4a: {  	_ =	shalt  }
0x4b: {  	_ =	shalt  }
0x4c: {  	_ =	shalt  }
0x4d: {  	_ =	shalt  }
0x4e: {  	_ =	shalt  }
0x4f: {  	_ =	shalt  }
0x50: {  	_ =	shalt  }
0x51: {  	_ =	shalt  }
0x52: {  	_ =	shalt  }
0x53: {  	_ =	shalt  }
0x54: {  	_ =	shalt  }
0x55: {  	_ =	shalt  }
0x56: {  	_ =	shalt  }
0x57: {  	_ =	shalt  }
0x58: {  	_ =	shalt  }
0x59: {  	_ =	shalt  }
0x5a: {  	_ =	shalt  }
0x5b: {  	_ =	shalt  }
0x5c: {  	_ =	shalt  }
0x5d: {  	_ =	shalt  }
0x5e: {  	_ =	shalt  }
0x5f: {  	_ =	shalt  }
0x60: {  	_ =	shalt  }
0x61: {  	_ =	shalt  }
0x62: {  	_ =	shalt  }
0x63: {  	_ =	shalt  }
0x64: {  	_ =	shalt  }
0x65: {  	_ =	shalt  }
0x66: {  	_ =	shalt  }
0x67: {  	_ =	shalt  }
0x68: {  	_ =	shalt  }
0x69: {  	_ =	shalt  }
0x6a: {  	_ =	shalt  }
0x6b: {  	_ =	shalt  }
0x6c: {  	_ =	shalt  }
0x6d: {  	_ =	shalt  }
0x6e: {  	_ =	shalt  }
0x6f: {  	_ =	shalt  }
0x70: {  	_ =	shalt  }
0x71: {  	_ =	shalt  }
0x72: {  	_ =	shalt  }
0x73: {  	_ =	shalt  }
0x74: {  	_ =	shalt  }
0x75: {  	_ =	shalt  }
0x76: {  	_ =	shalt  }
0x77: {  	_ =	shalt  }
0x78: {  	_ =	shalt  }
0x79: {  	_ =	shalt  }
0x7a: {  	_ =	shalt  }
0x7b: {  	_ =	shalt  }
0x7c: {  	_ =	shalt  }
0x7d: {  	_ =	shalt  }
0x7e: {  	_ =	shalt  }
0x7f: {  	_ =	shalt  }
0x80: {  	_ =	shalt  }
0x81: {  	_ =	shalt  }
0x82: {  	_ =	shalt  }
0x83: {  	_ =	shalt  }
0x84: {  	_ =	shalt  }
0x85: {  	_ =	shalt  }
0x86: {  	_ =	shalt  }
0x87: {  	_ =	shalt  }
.Lfunc_end0:
.L_simem_size_0:
called_computation_lowered:
.L_overlay_start_0:
0x88: {  	s2 =	sld [smem:$0x3FD9]  }
0x89: {  	s3 =	sld [smem:$0x3FFE];
	_ =	sdelay $0x1  }
0x8a: {  	s1 =	srdreg.scid  }
0x8b: {  	s0 =	sand.u32 $0x1, s1  }
0x8c: {  	s18 =	sshll.u32 s0, $0xA;
	s2 =	sadd.s32 s3, s2  }
0x8d: {  	s2 =	sadd.s32 s2, s18  }
0x8e: {  	[smem:$0x3FC7] =	sst s2  }
0x8f: {  	_ = 	snop  }
0x90: {  	s2 =	sld [smem:$0x3FC9]  }
0x91: {  	s19 =	sld [smem:$0x3FD0];
	(tm) =	ssettm $0x1  }
0x92: {  	s4 =	sld [smem:$0x3FFB];
	_ =	sdelay $0x3  }
0x93: {  	_ =	strace s4  }
0x94: {  	s4 =	sld [smem:$0x3FFC];
	_ =	sdelay $0x3  }
0x95: {  	_ =	strace s4  }
0x96: {  	s4 =	sld [smem:$0x3FFD];
	_ =	sdelay $0x3  }
0x97: {  	_ =	strace s4  }
0x98: {  	_ =	strace $0x8FFFFFFF  }
0x99: {  	s20 =	sld [smem:$0x3FDB];
	_ =	sdelay $0x1  }
0x9a: {  	s5 =	simm.s32 $_scs_section_size  }
0x9b: {  	s6 =	simm.s32 $_size__tile_overlayer_lowered;
	s7 =	simm.s32 $_tile_overlayer_lowered  }
0x9c: {  	s23 =	simm.s32 $0x1BFF;
	s22 =	sshll.u32 s7, $0x1;
	s4 =	sadd.s32 s5, s20  }
0x9d: {  	s8 =	simm.s32 $0x0;
	s21 =	sshll.u32 s6, $0x1;
	s6 =	sadd.s32 s22, s4  }
0x9e: {  	[timem:s8], [sflag:s23] =	dma.local [hbm:s6], s21  }
0x9f: {  	_ =	swait.ge [sflag:s23], s21  }
0xa0: {  	s5 =	ssub.s32 $0x0, s21;
	[sflag:s23] =	ssyncset.done $0x0  }
0xa1: {  	[sflag:s23] =	ssyncadd.s32 s5;
	_ =	sdelay $0x1  }
0xa2: {  	s24 =	simm.s32 $0x1B8B  }
0xa3: {  	_ =	swait.ge [sflag:s24], $0x1  }
0xa4: {  	[sflag:s24] =	ssyncset.done $0x0  }
0xa5: {  	s25 =	simm.s32 $0x1B8E;
	[sflag:s24] =	ssyncadd.s32 $0xFFFFFFFF  }
0xa6: {  	s26 =	simm.s32 $execute0_lowered;
	[smem:$0x3FD2] =	sst s25  }
0xa7: {  	s5 =	sshll.u32 s26, $0x1;
	_ =	strace $0x80000046;
	[dreg:$0x1] =	wrdreg $0xFFFFFFFF  }
0xa8: {  	s28 =	simm.s32 $_size_execute0_lowered;
	s4 =	sadd.s32 s4, s5;
	[dreg:$0x0] =	wrdreg $0x0  }
0xa9: {  	s5 =	sshll.u32 s28, $0x1;
	[dreg:$0x2] =	wrdreg s4  }
0xaa: {  	[dreg:$0x3] =	wrdreg s5  }
0xab: {  	[dreg:$0x4] =	wrdreg $0xC0  }
0xac: {  	_ =	task [dreg:s8], $0x5FFFF  }
0xad: {  	[dreg:$0x1] =	wrdreg $0xFFFFFFFF  }
0xae: {  	[dreg:$0x0] =	wrdreg $0x60  }
0xaf: {  	[dreg:$0x2] =	wrdreg s2  }
0xb0: {  	[dreg:$0x3] =	wrdreg s19  }
0xb1: {  	[dreg:$0x4] =	wrdreg $0x9  }
0xb2: {  	_ =	task.clear_ibuf [dreg:s8], $0x5FFFF;
	_ =	strace $0x90000046  }
0xb3: {  	s29 =	simm.s32 $0x9;
	_ =	strace $0x80000048  }
0xb4: {  	_ =	swait.ge [sflag:s29], $0x1  }
0xb5: {  	[sflag:s29] =	ssyncadd.s32 $0xFFFFFFFF  }
0xb6: {  	_ =	strace $0x90000048  }
0xb7: {  	_ =	sfence  }
0xb8: {  	s30 =	sld [smem:$0x0];
	_ =	sdelay $0x2  }
0xb9: {  	s31 =	sshll.u32 s1, $0xD;
	s1 =	sshrl.u32 s1, $0x2  }
0xba: {  	s3 =	sand.u32 $0x4000, s31;
	s1 =	sadd.s32 s1, s30  }
0xbb: {  	s0 =	sor.u32 s3, s0;
	s1 =	sshll.u32 s1, $0x11  }
0xbc: {  	s0 =	sor.u32 s1, s0  }
0xbd: {  	s0 =	sadd.s32 $0x8F2B, s0  }
0xbe: {  	[sflag:s0] =	ssyncadd.remote.s32 $0x1  }
0xbf: {  	_ =	sfence.sel $0xFFFF  }
0xc0: {  	[dreg:$0x0] =	wrdreg $0xFFFFFFFF;
	(pc) =	sbr.abs _section_cstart, $3  }
0xc1: {  	[dreg:$0x1] =	wrdreg $0xFFFFFFFF  }
0xc2: {  	_ =	task.clear_ibuf [dreg:s8], $0x2FFFF;
	_ =	strace $0x9FFFFFFF  }
0xc3: {  	(tm) =	ssettm $0x7FFFFFFF  }
tec
execute0_lowered:
.L_overlay_start_1:
0x0: {  	(tag) =	ssettag $0x1  }
0x1: {  	s5 =	rddreg [dreg:$0x0]  }
0x2: {  	s2 =	rddreg [dreg:$0x1]  }
0x3: {  	s0 =	rddreg [dreg:$0x2];
	s1 =	stileid.u32;
	s3 =	simm.s32 $0x0  }
0x4: {  	s4 =	srdreg.scid;
	s12 =	simm.s32 $0x800;
	s13 =	simm.s32 $0x1  }
0x5: {  	s14 =	simm.s32 $0x40000;
	s15 =	simm.s32 $0x1000;
	s16 =	simm.s32 $0x2  }
0x6: {  	s17 =	simm.s32 $0x4;
	s18 =	simm.s32 $0xA800;
	s19 =	simm.s32 $0x3  }
0x7: {  	s20 =	simm.s32 $0x0;
	s6 =	sshll.u32 s1, $0x1;
	[smem:$0x7FF] =	sst s3  }
0x8: {  	s4 =	sand.u32 $0x1, s4;
	s8 =	sshrl.u32 s1, $0x1;
	s6 =	sand.u32 $0x2, s6  }
0x9: {  	s7 =	ssub.s32 $0x2, s4;
	s29 =	sshll.u32 s8, $0x9;
	_ =	strace $0x80000047  }
0xa: {  	s30 =	smul.u32 $0x4C0000, s8;
	s9 =	sor.u32 s4, s6;
	s28 =	sshrl.u32 s7, $0x1  }
.Ltmp0:
0xb: {  	s4 =	sadd.s32 $0x100, s5;
	s10 =	sshll.u32 s9, $0x7;
	(pc) =	sbr.rel .LBB2_1-.Ltmp0, $4  }
0xc: {  	s11 =	ssub.s32 s7, s28;
	s31 =	sshll.u32 s9, $0x10;
	s10 =	sor.u32 s29, s10  }
0xd: {  	s9 =	sadd.s32 $0x100, s2;
	s7 =	sor.u32 s30, s31;
	s6 =	sshll.u32 s10, $0x6  }
0xe: {  	s11 =	smax.u32 s11, $0x1;
	s10 =	sshrl.u32 s10, $0x3;
	s5 =	sadd.s32 s5, s6  }
0xf: {  	v0 =	vimm.f32 $5.263158120e-03;
	s6 =	sadd.s32 s6, s4;
	s10 =	sor.u32 $0x1, s10;
	s8 =	sadd.s32 $0x200, s5  }
.LBB2_12:
0x10: {  	s20 =	sadd.s32 $0x1, s20  }
0x11: {  	_ =	swait.ge [sflag:s19], $0x9800;
	p0 =	sne.s32 s20, s11  }
.Ltmp1:
0x12: {  	[sflag:s19] =	ssyncset.done $0x0;
	(pc) =	sbr.rel @!p0 .LBB2_13-.Ltmp1, $4  }
0x13: {  	[sflag:s19] =	ssyncadd.s32 $0xFFFF6800  }
0x14: {  	_ =	swait.ge [sflag:s17], $0x9800  }
0x15: {  	[sflag:s17] =	ssyncset.done $0x0  }
0x16: {  	[sflag:s17] =	ssyncadd.s32 $0xFFFF6800  }
.LBB2_1:
0x17: {  	[tilespmem:s3], [sflag:$0x1] =	stream.linear.gather [hbm4b:s5+s3], $0x800, $0x38;
	[tilespmem:$0x14000] =	vst v63  }
0x18: {  	s21 =	simm.s32 $0x0  }
0x19: {  	[tilespmem:s12], [sflag:$0x2] =	stream.linear.gather [hbm4b:s6+s3], $0x800, $0x38;
	[tilespmem:$0x14000] =	vst v63  }
.LBB2_2:
0x1a: {  	_ =	swait.ge [sflag:s13], $0x800  }
0x1b: {  	p0 =	seq.s32 s21, $0x0;
	[sflag:s13] =	ssyncset.done $0x0  }
0x1c: {  	s23 =	simm.s32 $0x0;
	s22 =	simm.s32 @!p0 $0x3;
	[sflag:s13] =	ssyncadd.s32 $0xFFFFF800  }
0x1d: {  	s24 =	sand.u32 $0x400, s23;
	s25 =	sand.u32 $0x380, s23;
	_ =	swait.ge @!p0 [sflag:s22], $0x9800  }
0x1e: {  	s23 =	sand.u32 $0x70, s23;
	s24 =	sor.u32 s25, s24;
	[sflag:s22] =	ssyncset.done @!p0 $0x0  }
0x1f: {  	[sflag:s22] =	ssyncadd.s32 @!p0 $0xFFFF6800;
	s22 =	sor.u32 s23, s24  }
0x20: {  	v12 =	vld [tilespmem:s22+$0x0];
	_ =	sdelay $0x4  }
0x21: {  	vm0 =	veq.s32 v12, $0xFF;
	vm1 =	veq.s32 v12, $0x0;
	vm2 =	veq.s32 v12, $0x1  }
0x22: {  	vm3 =	veq.s32 v12, $0x12;
	vm4 =	veq.s32 v12, $0x3;
	v1 =	vsel vm0, $0x0, v0  }
0x23: {  	vm5 =	veq.s32 v12, $0xC;
	vm0 =	veq.s32 v12, $0x2;
	v2 =	vsel vm3, $0x3F666666, v1  }
0x24: {  	vm3 =	veq.s32 v12, $0x4;
	v4 =	vsel vm1, $0x3F666666, v1;
	vm1 =	veq.s32 v12, $0x5  }
0x25: {  	v8 =	vsel vm2, $0x3F666666, v1;
	vm2 =	veq.s32 v12, $0x6;
	v10 =	vsel vm0, $0x3F666666, v1  }
0x26: {  	vm0 =	veq.s32 v12, $0x7;
	v13 =	vsel vm4, $0x3F666666, v1;
	vm4 =	veq.s32 v12, $0x8  }
0x27: {  	v9 =	vsel vm3, $0x3F666666, v1;
	vm3 =	veq.s32 v12, $0x9;
	v5 =	vsel vm1, $0x3F666666, v1  }
0x28: {  	vm1 =	veq.s32 v12, $0xA;
	[tilespmem:s22+$0xA000] =	vst v2;
	v2 =	vsel vm2, $0x3F666666, v1;
	vm2 =	veq.s32 v12, $0xB  }
0x29: {  	v3 =	vsel vm0, $0x3F666666, v1;
	v6 =	vsel vm4, $0x3F666666, v1;
	vm4 =	veq.s32 v12, $0xD;
	[tilespmem:s22+$0x1000] =	vst v4  }
0x2a: {  	s31 =	simm.s32 $0x8;
	vm0 =	veq.s32 v12, $0xE;
	[tilespmem:s22+$0x2000] =	vst v10;
	v10 =	vsel vm5, $0x3F666666, v1;
	v7 =	vsel vm3, $0x3F666666, v1  }
0x2b: {  	s28 =	sand.u32 $0x380, s31;
	s24 =	simm.s32 $0x80;
	[tilespmem:s22+$0x1800] =	vst v8;
	v8 =	vsel vm1, $0x3F666666, v1;
	vm1 =	veq.s32 v12, $0xF;
	v11 =	vsel vm2, $0x3F666666, v1  }
0x2c: {  	s25 =	simm.s32 $0x10;
	s23 =	simm.s32 $0x10;
	s26 =	sand.u32 $0x400, s24;
	[tilespmem:s22+$0x2800] =	vst v13;
	vm2 =	veq.s32 v12, $0x10;
	v4 =	vsel vm4, $0x3F666666, v1;
	vm3 =	veq.s32 v12, $0x11  }
.LBB2_3:
0x2d: {  	s29 =	sand.u32 $0x70, s23;
	s26 =	sor.u32 s28, s26;
	[tilespmem:s22+$0x3000] =	vst v9  }
0x2e: {  	[tilespmem:s22+$0x3800] =	vst v5;
	s26 =	sor.u32 s29, s26  }
0x2f: {  	v14 =	vld [tilespmem:s26+$0x0];
	[tilespmem:s22+$0x4000] =	vst v2  }
0x30: {  	[tilespmem:s22+$0x4800] =	vst v3  }
0x31: {  	[tilespmem:s22+$0x5000] =	vst v6  }
0x32: {  	[tilespmem:s22+$0x5800] =	vst v7  }
0x33: {  	[tilespmem:s22+$0x6000] =	vst v8  }
0x34: {  	[tilespmem:s22+$0x6800] =	vst v11  }
0x35: {  	v9 =	vsel vm0, $0x3F666666, v1;
	[tilespmem:s22+$0x7000] =	vst v10  }
0x36: {  	v12 =	vsel vm1, $0x3F666666, v1;
	v13 =	vsel vm2, $0x3F666666, v1;
	v5 =	vsel vm3, $0x3F666666, v1;
	[tilespmem:s22+$0x7800] =	vst v4  }
0x37: {  	[tilespmem:s22+$0x8000] =	vst v9;
	vm0 =	veq.s32 v14, $0xFF;
	vm3 =	veq.s32 v14, $0x0;
	vm8 =	veq.s32 v14, $0x1  }
0x38: {  	[tilespmem:s22+$0x8800] =	vst v12;
	vm7 =	veq.s32 v14, $0x2;
	v1 =	vsel vm0, $0x0, v0;
	vm0 =	veq.s32 v14, $0x12  }
0x39: {  	[tilespmem:s22+$0x9000] =	vst v13;
	vm9 =	veq.s32 v14, $0x3;
	vm10 =	veq.s32 v14, $0x4;
	v2 =	vsel vm0, $0x3F666666, v1  }
0x3a: {  	vm11 =	veq.s32 v14, $0x5;
	vm0 =	veq.s32 v14, $0xB;
	[tilespmem:s26+$0xA000] =	vst v2;
	v2 =	vimm.s32 $0x0  }
0x3b: {  	[tilespmem:s22+$0x9800] =	vst v5;
	vm12 =	veq.s32 v14, $0x6;
	vm13 =	veq.s32 v14, $0x7;
	v2 =	vsel vm0, $0xFFFFFFFF, v2  }
0x3c: {  	s22 =	smov.u32 s26;
	vm14 =	veq.s32 v14, $0x8;
	vm15 =	veq.s32 v14, $0x9;
	v4 =	vsel vm7, $0x3F666666, v1;
	[tilespmem:$0x1FFF0] =	vst v2  }
0x3d: {  	vm4 =	veq.s32 v14, $0xA;
	vm5 =	veq.s32 v14, $0xC;
	vm6 =	veq.s32 v14, $0xD;
	[tilespmem:s22+$0x2000] =	vst v4;
	v4 =	vld [tilespmem:$0x1FFF0]  }
0x3e: {  	p1 =	sne.s32 s25, $0x3F8;
	vm1 =	veq.s32 v14, $0xF;
	vm2 =	veq.s32 v14, $0x10;
	v3 =	vsel vm8, $0x3F666666, v1  }
.Ltmp2:
0x3f: {  	v10 =	vsel vm9, $0x3F666666, v1;
	v9 =	vsel vm10, $0x3F666666, v1;
	v5 =	vsel vm11, $0x3F666666, v1;
	(pc) =	sbr.rel @p1 .LBB2_3-.Ltmp2, $4  }
0x40: {  	v6 =	vsel vm14, $0x3F666666, v1;
	v7 =	vsel vm15, $0x3F666666, v1;
	v8 =	vsel vm4, $0x3F666666, v1;
	[tilespmem:s22+$0x1800] =	vst v3  }
0x41: {  	v3 =	vsel vm13, $0x3F666666, v1;
	[tilespmem:s22+$0x2800] =	vst v10;
	v10 =	vsel vm5, $0x3F666666, v1;
	vm0 =	veq.s32 v14, $0xE  }
0x42: {  	s23 =	sadd.s32 $0x10, s23;
	s24 =	sadd.s32 $0x80, s24;
	v2 =	vsel vm3, $0x3F666666, v1;
	vm3 =	veq.s32 v14, $0x11;
	vm4 =	vnez.u8 v4  }
0x43: {  	s28 =	sand.u32 $0x380, s25;
	s25 =	sadd.s32 $0x8, s25;
	s26 =	sand.u32 $0x400, s24;
	[tilespmem:s22+$0x1000] =	vst v2;
	v2 =	vsel vm12, $0x3F666666, v1;
	v4 =	vsel vm6, $0x3F666666, v1;
	v11 =	vsel vm4, $0x3F666666, v1  }
0x44: {  	s23 =	sand.u32 $0x70, s23;
	s24 =	sor.u32 s28, s26;
	[tilespmem:s22+$0x3000] =	vst v9  }
0x45: {  	[tilespmem:s22+$0x3800] =	vst v5;
	s23 =	sor.u32 s23, s24  }
0x46: {  	v5 =	vld [tilespmem:s23+$0x0];
	[tilespmem:s22+$0x4000] =	vst v2  }
0x47: {  	[tilespmem:s22+$0x4800] =	vst v3  }
0x48: {  	[tilespmem:s22+$0x5000] =	vst v6  }
0x49: {  	[tilespmem:s22+$0x5800] =	vst v7  }
0x4a: {  	[tilespmem:s22+$0x6000] =	vst v8  }
0x4b: {  	[tilespmem:s22+$0x6800] =	vst v11  }
0x4c: {  	[tilespmem:s22+$0x7000] =	vst v10  }
0x4d: {  	v62 =	vsel vm0, $0x3F666666, v1;
	[tilespmem:s22+$0x7800] =	vst v4;
	vm4 =	veq.s32 v5, $0xFF  }
0x4e: {  	v63 =	vsel vm2, $0x3F666666, v1;
	[tilespmem:s22+$0x8000] =	vst v62;
	vm9 =	veq.s32 v5, $0x12;
	v2 =	vsel vm4, $0x0, v0  }
0x4f: {  	[tilespmem:s22+$0x9000] =	vst v63;
	v3 =	vsel vm9, $0x3F666666, v2  }
0x50: {  	[tilespmem:s23+$0xA000] =	vst v3;
	v3 =	vsel vm1, $0x3F666666, v1  }
0x51: {  	vm10 =	veq.s32 v5, $0x0;
	v1 =	vsel vm3, $0x3F666666, v1;
	[tilespmem:s22+$0x8800] =	vst v3  }
0x52: {  	vm11 =	veq.s32 v5, $0x1;
	v3 =	vsel vm10, $0x3F666666, v2;
	[tilespmem:s22+$0x9800] =	vst v1  }
0x53: {  	vm12 =	veq.s32 v5, $0x2;
	v1 =	vsel vm11, $0x3F666666, v2;
	[tilespmem:s23+$0x1000] =	vst v3  }
0x54: {  	vm13 =	veq.s32 v5, $0x3;
	v3 =	vsel vm12, $0x3F666666, v2;
	[tilespmem:s23+$0x1800] =	vst v1  }
0x55: {  	vm14 =	veq.s32 v5, $0x4;
	v1 =	vsel vm13, $0x3F666666, v2;
	[tilespmem:s23+$0x2000] =	vst v3  }
0x56: {  	vm15 =	veq.s32 v5, $0x5;
	v3 =	vsel vm14, $0x3F666666, v2;
	[tilespmem:s23+$0x2800] =	vst v1  }
0x57: {  	vm4 =	veq.s32 v5, $0x6;
	v1 =	vsel vm15, $0x3F666666, v2;
	[tilespmem:s23+$0x3000] =	vst v3  }
0x58: {  	vm5 =	veq.s32 v5, $0x7;
	v3 =	vsel vm4, $0x3F666666, v2;
	[tilespmem:s23+$0x3800] =	vst v1  }
0x59: {  	vm6 =	veq.s32 v5, $0x8;
	v1 =	vsel vm5, $0x3F666666, v2;
	[tilespmem:s23+$0x4000] =	vst v3  }
0x5a: {  	vm7 =	veq.s32 v5, $0x9;
	v3 =	vsel vm6, $0x3F666666, v2;
	[tilespmem:s23+$0x4800] =	vst v1  }
0x5b: {  	vm8 =	veq.s32 v5, $0xA;
	v1 =	vsel vm7, $0x3F666666, v2;
	[tilespmem:s23+$0x5000] =	vst v3  }
0x5c: {  	vm9 =	veq.s32 v5, $0xB;
	v3 =	vsel vm8, $0x3F666666, v2;
	[tilespmem:s23+$0x5800] =	vst v1  }
0x5d: {  	vm10 =	veq.s32 v5, $0xC;
	v1 =	vsel vm9, $0x3F666666, v2;
	[tilespmem:s23+$0x6000] =	vst v3  }
0x5e: {  	vm11 =	veq.s32 v5, $0xD;
	v3 =	vsel vm10, $0x3F666666, v2;
	[tilespmem:s23+$0x6800] =	vst v1  }
0x5f: {  	vm12 =	veq.s32 v5, $0xE;
	v1 =	vsel vm11, $0x3F666666, v2;
	[tilespmem:s23+$0x7000] =	vst v3  }
0x60: {  	p1 =	sne.s32 s21, $0xF;
	vm13 =	veq.s32 v5, $0xF;
	v3 =	vsel vm12, $0x3F666666, v2;
	[tilespmem:s23+$0x7800] =	vst v1  }
.Ltmp3:
0x61: {  	s30 =	sshll.u32 s21, $0xC;
	vm14 =	veq.s32 v5, $0x10;
	v1 =	vsel vm13, $0x3F666666, v2;
	[tilespmem:s23+$0x8000] =	vst v3;
	(pc) =	sbr.rel @p1 .LBB2_6-.Ltmp3, $4  }
0x62: {  	s22 =	sadd.s32 s7, s30;
	vm15 =	veq.s32 v5, $0x11;
	v3 =	vsel vm14, $0x3F666666, v2;
	[tilespmem:s23+$0x8800] =	vst v1  }
0x63: {  	s22 =	sshrl.u32 s22, $0x3;
	v1 =	vsel vm15, $0x3F666666, v2;
	[tilespmem:s23+$0x9000] =	vst v3  }
0x64: {  	s31 =	sadd.s32 s2, s22;
	[tilespmem:s23+$0x9800] =	vst v1  }
0x65: {  	[hbm4b:s31+s12] =	stream.strided.scatter [tilespmem:s15], [sflag:$0x3], $0x9800, s14, s12, $0x38;
	[tilespmem:$0x14000] =	vst v63  }
.Ltmp4:
0x66: {  	(pc) =	sbr.rel .LBB2_7-.Ltmp4, $4  }
0x67: {  	_ = 	snop  }
0x68: {  	_ =	swait.ge [sflag:s16], $0x800  }
0x69: {  	[sflag:s16] =	ssyncset.done $0x0  }
0x6a: {  	[sflag:s16] =	ssyncadd.s32 $0xFFFFF800  }
.LBB2_6:
0x6b: {  	s23 =	sshll.u32 s21, $0x9  }
.Ltmp5:
0x6c: {  	s23 =	sadd.s32 s23, s8;
	(pc) =	sbr.rel @p0 .LBB2_8-.Ltmp5, $4  }
0x6d: {  	[tilespmem:s3], [sflag:$0x1] =	stream.linear.gather [hbm4b:s23+s3], $0x800, $0x38;
	[tilespmem:$0x14000] =	vst v63  }
0x6e: {  	_ =	swait.ge [sflag:s16], $0x800  }
0x6f: {  	[sflag:s16] =	ssyncset.done $0x0  }
0x70: {  	[sflag:s16] =	ssyncadd.s32 $0xFFFFF800  }
.LBB2_7:
0x71: {  	_ =	swait.ge [sflag:s17], $0x9800  }
0x72: {  	[sflag:s17] =	ssyncset.done $0x0  }
0x73: {  	[sflag:s17] =	ssyncadd.s32 $0xFFFF6800  }
.LBB2_8:
0x74: {  	s23 =	simm.s32 $0x0  }
0x75: {  	s24 =	sand.u32 $0x400, s23;
	s25 =	sand.u32 $0x380, s23  }
0x76: {  	s23 =	sand.u32 $0x70, s23;
	s24 =	sor.u32 s25, s24  }
0x77: {  	s23 =	sor.u32 s23, s24  }
0x78: {  	v12 =	vld [tilespmem:s23+$0x800];
	_ =	sdelay $0x4  }
0x79: {  	vm0 =	veq.s32 v12, $0xFF;
	vm1 =	veq.s32 v12, $0x0;
	vm2 =	veq.s32 v12, $0x1  }
0x7a: {  	vm3 =	veq.s32 v12, $0x12;
	vm4 =	veq.s32 v12, $0x3;
	v1 =	vsel vm0, $0x0, v0  }
0x7b: {  	vm5 =	veq.s32 v12, $0xC;
	vm0 =	veq.s32 v12, $0x2;
	v2 =	vsel vm3, $0x3F666666, v1  }
0x7c: {  	vm3 =	veq.s32 v12, $0x4;
	v4 =	vsel vm1, $0x3F666666, v1;
	vm1 =	veq.s32 v12, $0x5  }
0x7d: {  	v8 =	vsel vm2, $0x3F666666, v1;
	vm2 =	veq.s32 v12, $0x6;
	v10 =	vsel vm0, $0x3F666666, v1  }
0x7e: {  	vm0 =	veq.s32 v12, $0x7;
	v13 =	vsel vm4, $0x3F666666, v1;
	vm4 =	veq.s32 v12, $0x8  }
0x7f: {  	v9 =	vsel vm3, $0x3F666666, v1;
	vm3 =	veq.s32 v12, $0x9;
	v5 =	vsel vm1, $0x3F666666, v1  }
0x80: {  	vm1 =	veq.s32 v12, $0xA;
	[tilespmem:s23+$0x13800] =	vst v2;
	v2 =	vsel vm2, $0x3F666666, v1;
	vm2 =	veq.s32 v12, $0xB  }
0x81: {  	v3 =	vsel vm0, $0x3F666666, v1;
	v6 =	vsel vm4, $0x3F666666, v1;
	vm4 =	veq.s32 v12, $0xD;
	[tilespmem:s23+$0xA800] =	vst v4  }
0x82: {  	s26 =	simm.s32 $0x8;
	vm0 =	veq.s32 v12, $0xE;
	[tilespmem:s23+$0xB800] =	vst v10;
	v10 =	vsel vm5, $0x3F666666, v1;
	v7 =	vsel vm3, $0x3F666666, v1  }
0x83: {  	s29 =	sand.u32 $0x380, s26;
	s25 =	simm.s32 $0x80;
	[tilespmem:s23+$0xB000] =	vst v8;
	v8 =	vsel vm1, $0x3F666666, v1;
	vm1 =	veq.s32 v12, $0xF;
	v11 =	vsel vm2, $0x3F666666, v1  }
0x84: {  	s26 =	simm.s32 $0x10;
	s24 =	simm.s32 $0x10;
	s28 =	sand.u32 $0x400, s25;
	[tilespmem:s23+$0xC000] =	vst v13;
	vm2 =	veq.s32 v12, $0x10;
	v4 =	vsel vm4, $0x3F666666, v1;
	vm3 =	veq.s32 v12, $0x11  }
.LBB2_9:
0x85: {  	s30 =	sand.u32 $0x70, s24;
	s28 =	sor.u32 s29, s28;
	[tilespmem:s23+$0xC800] =	vst v9  }
0x86: {  	[tilespmem:s23+$0xD000] =	vst v5;
	s28 =	sor.u32 s30, s28  }
0x87: {  	v14 =	vld [tilespmem:s28+$0x800];
	[tilespmem:s23+$0xD800] =	vst v2  }
0x88: {  	[tilespmem:s23+$0xE000] =	vst v3  }
0x89: {  	[tilespmem:s23+$0xE800] =	vst v6  }
0x8a: {  	[tilespmem:s23+$0xF000] =	vst v7  }
0x8b: {  	[tilespmem:s23+$0xF800] =	vst v8  }
0x8c: {  	[tilespmem:s23+$0x10000] =	vst v11  }
0x8d: {  	v9 =	vsel vm0, $0x3F666666, v1;
	[tilespmem:s23+$0x10800] =	vst v10  }
0x8e: {  	v12 =	vsel vm1, $0x3F666666, v1;
	v13 =	vsel vm2, $0x3F666666, v1;
	v5 =	vsel vm3, $0x3F666666, v1;
	[tilespmem:s23+$0x11000] =	vst v4  }
0x8f: {  	[tilespmem:s23+$0x11800] =	vst v9;
	vm0 =	veq.s32 v14, $0xFF;
	vm3 =	veq.s32 v14, $0x0;
	vm8 =	veq.s32 v14, $0x1  }
0x90: {  	[tilespmem:s23+$0x12000] =	vst v12;
	vm7 =	veq.s32 v14, $0x2;
	v1 =	vsel vm0, $0x0, v0;
	vm0 =	veq.s32 v14, $0x12  }
0x91: {  	[tilespmem:s23+$0x12800] =	vst v13;
	vm9 =	veq.s32 v14, $0x3;
	vm10 =	veq.s32 v14, $0x4;
	v2 =	vsel vm0, $0x3F666666, v1  }
0x92: {  	vm11 =	veq.s32 v14, $0x5;
	vm0 =	veq.s32 v14, $0xB;
	[tilespmem:s28+$0x13800] =	vst v2;
	v2 =	vimm.s32 $0x0  }
0x93: {  	[tilespmem:s23+$0x13000] =	vst v5;
	vm12 =	veq.s32 v14, $0x6;
	vm13 =	veq.s32 v14, $0x7;
	v2 =	vsel vm0, $0xFFFFFFFF, v2  }
0x94: {  	s23 =	smov.u32 s28;
	vm14 =	veq.s32 v14, $0x8;
	vm15 =	veq.s32 v14, $0x9;
	v4 =	vsel vm7, $0x3F666666, v1;
	[tilespmem:$0x1FFE0] =	vst v2  }
0x95: {  	vm4 =	veq.s32 v14, $0xA;
	vm5 =	veq.s32 v14, $0xC;
	vm6 =	veq.s32 v14, $0xD;
	[tilespmem:s23+$0xB800] =	vst v4;
	v4 =	vld [tilespmem:$0x1FFE0]  }
0x96: {  	p0 =	sne.s32 s26, $0x3F8;
	vm1 =	veq.s32 v14, $0xF;
	vm2 =	veq.s32 v14, $0x10;
	v3 =	vsel vm8, $0x3F666666, v1  }
.Ltmp6:
0x97: {  	v10 =	vsel vm9, $0x3F666666, v1;
	v9 =	vsel vm10, $0x3F666666, v1;
	v5 =	vsel vm11, $0x3F666666, v1;
	(pc) =	sbr.rel @p0 .LBB2_9-.Ltmp6, $4  }
0x98: {  	v6 =	vsel vm14, $0x3F666666, v1;
	v7 =	vsel vm15, $0x3F666666, v1;
	v8 =	vsel vm4, $0x3F666666, v1;
	[tilespmem:s23+$0xB000] =	vst v3  }
0x99: {  	v3 =	vsel vm13, $0x3F666666, v1;
	[tilespmem:s23+$0xC000] =	vst v10;
	v10 =	vsel vm5, $0x3F666666, v1;
	vm0 =	veq.s32 v14, $0xE  }
0x9a: {  	s24 =	sadd.s32 $0x10, s24;
	s25 =	sadd.s32 $0x80, s25;
	v2 =	vsel vm3, $0x3F666666, v1;
	vm3 =	veq.s32 v14, $0x11;
	vm4 =	vnez.u8 v4  }
0x9b: {  	s29 =	sand.u32 $0x380, s26;
	s26 =	sadd.s32 $0x8, s26;
	s28 =	sand.u32 $0x400, s25;
	[tilespmem:s23+$0xA800] =	vst v2;
	v2 =	vsel vm12, $0x3F666666, v1;
	v4 =	vsel vm6, $0x3F666666, v1;
	v11 =	vsel vm4, $0x3F666666, v1  }
0x9c: {  	s24 =	sand.u32 $0x70, s24;
	s25 =	sor.u32 s29, s28;
	[tilespmem:s23+$0xC800] =	vst v9  }
0x9d: {  	[tilespmem:s23+$0xD000] =	vst v5;
	s24 =	sor.u32 s24, s25  }
0x9e: {  	v5 =	vld [tilespmem:s24+$0x800];
	[tilespmem:s23+$0xD800] =	vst v2  }
0x9f: {  	[tilespmem:s23+$0xE000] =	vst v3  }
0xa0: {  	[tilespmem:s23+$0xE800] =	vst v6  }
0xa1: {  	[tilespmem:s23+$0xF000] =	vst v7  }
0xa2: {  	[tilespmem:s23+$0xF800] =	vst v8  }
0xa3: {  	[tilespmem:s23+$0x10000] =	vst v11  }
0xa4: {  	[tilespmem:s23+$0x10800] =	vst v10  }
0xa5: {  	v62 =	vsel vm0, $0x3F666666, v1;
	[tilespmem:s23+$0x11000] =	vst v4;
	vm4 =	veq.s32 v5, $0xFF  }
0xa6: {  	v63 =	vsel vm2, $0x3F666666, v1;
	[tilespmem:s23+$0x11800] =	vst v62;
	vm9 =	veq.s32 v5, $0x12;
	v2 =	vsel vm4, $0x0, v0  }
0xa7: {  	[tilespmem:s23+$0x12800] =	vst v63;
	v3 =	vsel vm9, $0x3F666666, v2  }
0xa8: {  	[tilespmem:s24+$0x13800] =	vst v3;
	v3 =	vsel vm1, $0x3F666666, v1  }
0xa9: {  	vm10 =	veq.s32 v5, $0x0;
	v1 =	vsel vm3, $0x3F666666, v1;
	[tilespmem:s23+$0x12000] =	vst v3  }
0xaa: {  	vm11 =	veq.s32 v5, $0x1;
	v3 =	vsel vm10, $0x3F666666, v2;
	[tilespmem:s23+$0x13000] =	vst v1  }
0xab: {  	vm12 =	veq.s32 v5, $0x2;
	v1 =	vsel vm11, $0x3F666666, v2;
	[tilespmem:s24+$0xA800] =	vst v3  }
0xac: {  	vm13 =	veq.s32 v5, $0x3;
	v3 =	vsel vm12, $0x3F666666, v2;
	[tilespmem:s24+$0xB000] =	vst v1  }
0xad: {  	vm14 =	veq.s32 v5, $0x4;
	v1 =	vsel vm13, $0x3F666666, v2;
	[tilespmem:s24+$0xB800] =	vst v3  }
0xae: {  	vm15 =	veq.s32 v5, $0x5;
	v3 =	vsel vm14, $0x3F666666, v2;
	[tilespmem:s24+$0xC000] =	vst v1  }
0xaf: {  	vm4 =	veq.s32 v5, $0x6;
	v1 =	vsel vm15, $0x3F666666, v2;
	[tilespmem:s24+$0xC800] =	vst v3  }
0xb0: {  	vm5 =	veq.s32 v5, $0x7;
	v3 =	vsel vm4, $0x3F666666, v2;
	[tilespmem:s24+$0xD000] =	vst v1  }
0xb1: {  	vm6 =	veq.s32 v5, $0x8;
	v1 =	vsel vm5, $0x3F666666, v2;
	[tilespmem:s24+$0xD800] =	vst v3  }
0xb2: {  	vm7 =	veq.s32 v5, $0x9;
	v3 =	vsel vm6, $0x3F666666, v2;
	[tilespmem:s24+$0xE000] =	vst v1  }
0xb3: {  	vm8 =	veq.s32 v5, $0xA;
	v1 =	vsel vm7, $0x3F666666, v2;
	[tilespmem:s24+$0xE800] =	vst v3  }
0xb4: {  	vm9 =	veq.s32 v5, $0xB;
	v3 =	vsel vm8, $0x3F666666, v2;
	[tilespmem:s24+$0xF000] =	vst v1  }
0xb5: {  	vm10 =	veq.s32 v5, $0xC;
	v1 =	vsel vm9, $0x3F666666, v2;
	[tilespmem:s24+$0xF800] =	vst v3  }
0xb6: {  	vm11 =	veq.s32 v5, $0xD;
	v3 =	vsel vm10, $0x3F666666, v2;
	[tilespmem:s24+$0x10000] =	vst v1  }
0xb7: {  	vm12 =	veq.s32 v5, $0xE;
	v1 =	vsel vm11, $0x3F666666, v2;
	[tilespmem:s24+$0x10800] =	vst v3  }
0xb8: {  	p0 =	seq.s32 s21, $0xF;
	vm13 =	veq.s32 v5, $0xF;
	v3 =	vsel vm12, $0x3F666666, v2;
	[tilespmem:s24+$0x11000] =	vst v1  }
.Ltmp7:
0xb9: {  	vm14 =	veq.s32 v5, $0x10;
	v1 =	vsel vm13, $0x3F666666, v2;
	[tilespmem:s24+$0x11800] =	vst v3;
	(pc) =	sbr.rel @p0 .LBB2_12-.Ltmp7, $4  }
0xba: {  	vm15 =	veq.s32 v5, $0x11;
	v3 =	vsel vm14, $0x3F666666, v2;
	[tilespmem:s24+$0x12000] =	vst v1  }
0xbb: {  	v1 =	vsel vm15, $0x3F666666, v2;
	[tilespmem:s24+$0x12800] =	vst v3  }
0xbc: {  	s22 =	sadd.s32 s22, s9;
	[tilespmem:s24+$0x13000] =	vst v1  }
0xbd: {  	[hbm4b:s22+s12] =	stream.strided.scatter [tilespmem:s18], [sflag:$0x4], $0x9800, s14, s12, $0x38;
	[tilespmem:$0x14000] =	vst v63  }
.Ltmp8:
0xbe: {  	(pc) =	sbr.rel .LBB2_2-.Ltmp8, $4  }
0xbf: {  	s22 =	sadd.s32 s21, s10  }
0xc0: {  	s22 =	sshll.u32 s22, $0x9  }
0xc1: {  	s21 =	sadd.s32 $0x1, s21;
	s22 =	sadd.s32 s22, s4  }
0xc2: {  	[tilespmem:s12], [sflag:$0x2] =	stream.linear.gather [hbm4b:s22+s3], $0x800, $0x38;
	[tilespmem:$0x14000] =	vst v63  }
.LBB2_13:
0xc3: {  	_ =	sfence.sel $0x180000  }
0xc4: {  	[bflag:$0x0] =	sbarrier.arrive $0xFFFF  }
0xc5: {  	p0 =	sne.s32 s1, $0x0;
	_ =	strace $0x90000047  }
0xc6: {  	s0 =	sadd.s32 @!p0 $0x100000, s0;
	[bflag:$0x2] =	sbarrier.arrive $0xFFFF  }
0xc7: {  	[sflag:s0] =	ssyncadd.tile.s32 @!p0 $0x1;
	_ =	shalt  }
.Lfunc_end2:
_tile_overlayer_lowered:
.L_overlay_start_2:
0xc8: {  	(tag) =	ssettag $0x2  }
0xc9: {  	s0 =	rddreg [dreg:$0x0];
	s2 =	stileid.u32  }
0xca: {  	s1 =	rddreg [dreg:$0x1];
	p0 =	sne.s32 s2, $0x0  }
0xcb: {  	s3 =	rddreg [dreg:$0x2];
	[bflag:$0x3] =	sbarrier.arrive $0xFFFF;
	s2 =	simm.s32 @!p0 $0x1C05  }
0xcc: {  	[timem:s3], [sflag:s2] =	dma.local @!p0 [hbm:s0], s1  }
0xcd: {  	s0 =	simm.s32 @!p0 $0x5  }
0xce: {  	_ =	swait.ge @!p0 [sflag:s0], s1  }
0xcf: {  	s1 =	ssub.s32 @!p0 $0x0, s1;
	[sflag:s0] =	ssyncset.done @!p0 $0x0  }
0xd0: {  	[sflag:s0] =	ssyncadd.s32 @!p0 s1  }
0xd1: {  	[bflag:$0x3] =	sbarrier.arrive $0xFFFF  }
0xd2: {  	_ =	shalt  }

</sc_bundles>
